<compile_context>
chip_gen: v7x
topology: tpu7x:2x2x1
jax: 0.10.2.dev20260603
libtpu: 0.0.44.dev20260713+nightly
codegen_flags: <defaults>
</compile_context>

<pallas_src>
import jax
import jax.numpy as jnp
from jax import lax
from jax.experimental import pallas as pl
from jax.experimental.pallas import tpu as pltpu
from jax.experimental.pallas import tpu_sc as plsc

_N = 10000
_M = 32
_D = 128
_E = 16
_CH = 128
_NCHUNK = (_N * _M) // _CH
_NW = 32
_CPW = 80
_NBUF = 4
_BI = 400
_GRID = _N // _BI
_EPS = 1e-5


def _softplus(x):
    return jnp.maximum(x, 0.0) + jnp.log1p(jnp.exp(-jnp.abs(x)))


def _dott(a, b):
    return lax.dot_general(a, b, (((0,), (0,)), ((), ())),
                           preferred_element_type=jnp.float32)


def _sc_gather_body(table_hbm, idx_hbm, out_hbm, idx_v, rows_v, gsem, wsem):
    wid = lax.axis_index("s") * 2 + lax.axis_index("c")
    base = wid * _CPW
    pltpu.sync_copy(idx_hbm.at[pl.ds(base * _CH, _CPW * _CH)], idx_v)

    def _wb_drain():
        pltpu.make_async_copy(
            rows_v.at[0], out_hbm.at[pl.ds(0, _CH)], wsem).wait()

    def _gather_fire(j, b):
        pltpu.async_copy(
            table_hbm.at[idx_v.at[pl.ds(j * _CH, _CH)]], rows_v.at[b], gsem)

    def _gather_wait(j, b):
        pltpu.make_async_copy(
            table_hbm.at[idx_v.at[pl.ds(j * _CH, _CH)]], rows_v.at[b],
            gsem).wait()

    def _wb_fire(b, c):
        pltpu.async_copy(rows_v.at[b], out_hbm.at[pl.ds(c * _CH, _CH)], wsem)

    ngrp = _CPW // _NBUF

    def body(g, carry):
        for b in range(_NBUF):
            j = g * _NBUF + b
            c = base + j

            @pl.when((g > 0) & (c - _NBUF < _NCHUNK))
            def _():
                _wb_drain()

            @pl.when(c < _NCHUNK)
            def _():
                _gather_fire(j, b)

            prev_ok = (c - 1 < _NCHUNK)
            if b == 0:
                prev_ok = (g > 0) & prev_ok

            @pl.when(prev_ok)
            def _():
                bp = (b - 1) % _NBUF
                _gather_wait(j - 1, bp)
                _wb_fire(bp, c - 1)

        return carry

    lax.fori_loop(0, ngrp, body, 0)

    last = _CPW - 1

    @pl.when(base + last < _NCHUNK)
    def _():
        _gather_wait(last, last % _NBUF)
        _wb_fire(last % _NBUF, base + last)

    for j in range(_CPW - _NBUF, _CPW):
        @pl.when(base + j < _NCHUNK)
        def _():
            _wb_drain()


def _sc_gather(table, idxp):
    call = pl.kernel(
        _sc_gather_body,
        out_type=jax.ShapeDtypeStruct((_N * _M, _D), jnp.float32),
        mesh=plsc.VectorSubcoreMesh(core_axis_name="c", subcore_axis_name="s"),
        scratch_types=[
            pltpu.VMEM((_CPW * _CH,), jnp.int32),
            pltpu.VMEM((_NBUF, _CH, _D), jnp.float32),
            pltpu.SemaphoreType.DMA,
            pltpu.SemaphoreType.DMA,
        ],
    )
    return call(table, idxp)


def _moments_body(atom_ref, ag_ref, nbr_ref, wself_ref, we_ref, wnbr_ref,
                  b_ref, out_ref, yy, ab, zz):
    i = pl.program_id(0)

    @pl.when(i == 0)
    def _():
        out_ref[...] = jnp.zeros_like(out_ref)
        yy[...] = jnp.zeros_like(yy)
        ab[...] = jnp.zeros_like(ab)
        zz[...] = jnp.zeros_like(zz)

    ag = ag_ref[...]
    nbr3 = nbr_ref[...]
    nbrf = nbr3.reshape(_BI * _M, _E)

    agb = ag.astype(jnp.bfloat16)
    nbrb = nbrf.astype(jnp.bfloat16)
    yy[...] += _dott(agb, agb)
    ab[...] += _dott(nbrb, agb)
    zz[...] += _dott(nbrb, nbrb)

    agsum = jnp.sum(ag.reshape(_BI, _M, _D), axis=1)
    nbrsum = jnp.sum(nbr3, axis=1)

    sp = jnp.dot(atom_ref[...], wself_ref[...],
                 preferred_element_type=jnp.float32) + b_ref[...]
    q = jnp.dot(agsum, wnbr_ref[...], preferred_element_type=jnp.float32)
    esum = jnp.dot(nbrsum, we_ref[...], preferred_element_type=jnp.float32)

    mf = jnp.float32(_M)
    t1 = jnp.sum(mf * sp + esum + q, axis=0)
    t2 = jnp.sum(mf * sp * sp + 2.0 * sp * (esum + q), axis=0)
    out_ref[0:1, :] += t1[None, :]
    out_ref[1:2, :] += t2[None, :]

    @pl.when(i == _GRID - 1)
    def _():
        wnbr = wnbr_ref[...]
        we = we_ref[...]
        g2 = jnp.sum(wnbr * jnp.dot(yy[...], wnbr,
                                    preferred_element_type=jnp.float32), 0)
        e2 = jnp.sum(we * jnp.dot(zz[...], we,
                                  preferred_element_type=jnp.float32), 0)
        eg = jnp.sum(we * jnp.dot(ab[...], wnbr,
                                  preferred_element_type=jnp.float32), 0)
        out_ref[1:2, :] += (g2 + e2 + 2.0 * eg)[None, :]


def _reduce_body(atom_ref, ag_ref, nbr_ref, wselfs_ref, wes_ref, wnbrs_ref,
                 bs_ref, ns_ref, st2_ref):
    s = jnp.dot(atom_ref[...], wselfs_ref[...],
                preferred_element_type=jnp.float32) + bs_ref[...]
    g = jnp.dot(ag_ref[...], wnbrs_ref[...], preferred_element_type=jnp.float32)
    e = jnp.dot(nbr_ref[...].reshape(_BI * _M, _E), wes_ref[...],
                preferred_element_type=jnp.float32)
    h = (g + e).reshape(_BI, _M, 2 * _D) + s[:, None, :]
    filt = jax.nn.sigmoid(h[:, :, :_D])
    core = _softplus(h[:, :, _D:])
    ns = jnp.sum(filt * core, axis=1)
    ns_ref[...] = ns

    @pl.when(pl.program_id(0) == 0)
    def _():
        st2_ref[...] = jnp.zeros_like(st2_ref)

    st2_ref[0:1, :] += jnp.sum(ns, axis=0)[None, :]
    st2_ref[1:2, :] += jnp.sum(ns * ns, axis=0)[None, :]


def _final_body(atom_ref, ns_ref, wskip_ref, bskip_ref, a2_ref, b2_ref,
                out_ref):
    skip = jnp.dot(atom_ref[...], wskip_ref[...],
                   preferred_element_type=jnp.float32) + bskip_ref[...]
    out_ref[...] = _softplus(skip + ns_ref[...] * a2_ref[...] + b2_ref[...])


def kernel(atom_in_fea, nbr_fea, nbr_fea_idx, W_full, b_full, bn1_gamma,
           bn1_beta, bn2_gamma, bn2_beta, W_skip, b_skip):
    idxf = nbr_fea_idx.astype(jnp.int32).reshape(_N * _M)
    idxp = jnp.pad(idxf, (0, (_NW * _CPW - _NCHUNK) * _CH))

    w_self = W_full[:_D]
    w_nbr = W_full[_D:2 * _D]
    w_e = W_full[2 * _D:]
    b2d = b_full.reshape(1, 2 * _D)

    ag = _sc_gather(atom_in_fea, idxp)

    wspec = [
        pl.BlockSpec((_D, 2 * _D), lambda i: (0, 0)),
        pl.BlockSpec((_E, 2 * _D), lambda i: (0, 0)),
        pl.BlockSpec((_D, 2 * _D), lambda i: (0, 0)),
        pl.BlockSpec((1, 2 * _D), lambda i: (0, 0)),
    ]
    row_specs = [
        pl.BlockSpec((_BI, _D), lambda i: (i, 0)),
        pl.BlockSpec((_BI * _M, _D), lambda i: (i, 0)),
        pl.BlockSpec((_BI, _M, _E), lambda i: (i, 0, 0)),
    ] + wspec

    stats1 = pl.pallas_call(
        _moments_body,
        grid=(_GRID,),
        in_specs=row_specs,
        out_specs=pl.BlockSpec((8, 2 * _D), lambda i: (0, 0)),
        out_shape=jax.ShapeDtypeStruct((8, 2 * _D), jnp.float32),
        scratch_shapes=[
            pltpu.VMEM((_D, _D), jnp.float32),
            pltpu.VMEM((_E, _D), jnp.float32),
            pltpu.VMEM((_E, _E), jnp.float32),
        ],
    )(atom_in_fea, ag, nbr_fea, w_self, w_e, w_nbr, b2d)

    cnt1 = jnp.float32(_N * _M)
    mean1 = stats1[0] / cnt1
    var1 = stats1[1] / cnt1 - mean1 * mean1
    a1 = bn1_gamma / jnp.sqrt(var1 + _EPS)
    b1 = bn1_beta - mean1 * a1

    ns, stats2 = pl.pallas_call(
        _reduce_body,
        grid=(_GRID,),
        in_specs=row_specs,
        out_specs=[
            pl.BlockSpec((_BI, _D), lambda i: (i, 0)),
            pl.BlockSpec((8, _D), lambda i: (0, 0)),
        ],
        out_shape=[
            jax.ShapeDtypeStruct((_N, _D), jnp.float32),
            jax.ShapeDtypeStruct((8, _D), jnp.float32),
        ],
    )(atom_in_fea, ag, nbr_fea, w_self * a1, w_e * a1, w_nbr * a1,
      (b_full * a1 + b1).reshape(1, 2 * _D))

    cnt2 = jnp.float32(_N)
    mean2 = stats2[0] / cnt2
    var2 = stats2[1] / cnt2 - mean2 * mean2
    a2 = bn2_gamma / jnp.sqrt(var2 + _EPS)
    b2 = bn2_beta - mean2 * a2

    out = pl.pallas_call(
        _final_body,
        grid=(_GRID,),
        in_specs=[
            pl.BlockSpec((_BI, _D), lambda i: (i, 0)),
            pl.BlockSpec((_BI, _D), lambda i: (i, 0)),
            pl.BlockSpec((_D, _D), lambda i: (0, 0)),
            pl.BlockSpec((1, _D), lambda i: (0, 0)),
            pl.BlockSpec((1, _D), lambda i: (0, 0)),
            pl.BlockSpec((1, _D), lambda i: (0, 0)),
        ],
        out_specs=pl.BlockSpec((_BI, _D), lambda i: (i, 0)),
        out_shape=jax.ShapeDtypeStruct((_N, _D), jnp.float32),
    )(atom_in_fea, ns, W_skip, b_skip.reshape(1, -1),
      a2.reshape(1, -1), b2.reshape(1, -1))

    return out

# --- scband reference (transcript-rebuilt; emitter-appended) ---
"""Pipeline reference for scband-conv-layer-13391708030008 (READ-ONLY COPY).

The authoritative reference and input builder live on the scoring server;
editing this copy changes nothing except your own understanding.
"""

import jax, jax.numpy as jnp
import numpy as np

N = 10000
M = 32
D = 128
E = 16


def setup_inputs(seed: int = 0) -> dict:
    key = jax.random.key(seed)
    ks = [jax.random.fold_in(key, i) for i in range(8)]
    atom_in_fea = jax.random.normal(ks[0], (N, D), dtype=jnp.float32)
    nbr_fea = jax.random.normal(ks[1], (N, M, E), dtype=jnp.float32)
    nbr_fea_idx = jax.random.randint(ks[2], (N, M), 0, N)
    s1 = 1.0 / np.sqrt(2 * D + E)
    W_full = jax.random.uniform(ks[3], (2 * D + E, 2 * D), minval=-s1, maxval=s1, dtype=jnp.float32)
    b_full = jax.random.uniform(ks[4], (2 * D,), minval=-s1, maxval=s1, dtype=jnp.float32)
    bn1_gamma = jnp.ones((2 * D,), jnp.float32)
    bn1_beta = jnp.zeros((2 * D,), jnp.float32)
    bn2_gamma = jnp.ones((D,), jnp.float32)
    bn2_beta = jnp.zeros((D,), jnp.float32)
    s2 = 1.0 / np.sqrt(D)
    W_skip = jax.random.uniform(ks[5], (D, D), minval=-s2, maxval=s2, dtype=jnp.float32)
    b_skip = jax.random.uniform(ks[6], (D,), minval=-s2, maxval=s2, dtype=jnp.float32)
    return {
        "atom_in_fea": atom_in_fea,
        "nbr_fea": nbr_fea,
        "nbr_fea_idx": nbr_fea_idx,
        "W_full": W_full,
        "b_full": b_full,
        "bn1_gamma": bn1_gamma,
        "bn1_beta": bn1_beta,
        "bn2_gamma": bn2_gamma,
        "bn2_beta": bn2_beta,
        "W_skip": W_skip,
        "b_skip": b_skip,
    }


def _batch_norm(x, gamma, beta, eps=1e-5):
    mean = jnp.mean(x, axis=0)
    var = jnp.var(x, axis=0)  # biased, matches torch BN normalization
    return (x - mean) / jnp.sqrt(var + eps) * gamma + beta


def reference(atom_in_fea, nbr_fea, nbr_fea_idx, W_full, b_full, bn1_gamma, bn1_beta, bn2_gamma, bn2_beta, W_skip, b_skip):
    n, m = nbr_fea_idx.shape
    d = atom_in_fea.shape[1]
    atom_nbr_fea = jnp.take(atom_in_fea, nbr_fea_idx, axis=0)  # [N, M, D] gather
    atom_self_fea = jnp.broadcast_to(atom_in_fea[:, None, :], (n, m, d))
    total_nbr_fea = jnp.concatenate([atom_self_fea, atom_nbr_fea, nbr_fea], axis=2)
    total_gated_fea = total_nbr_fea @ W_full + b_full  # [N, M, 2D]
    total_gated_fea = _batch_norm(total_gated_fea.reshape(-1, 2 * d), bn1_gamma, bn1_beta)
    total_gated_fea = total_gated_fea.reshape(n, m, 2 * d)
    nbr_filter, nbr_core = jnp.split(total_gated_fea, 2, axis=2)
    nbr_filter = jax.nn.sigmoid(nbr_filter)
    nbr_core = jax.nn.softplus(nbr_core)
    nbr_sumed = jnp.sum(nbr_filter * nbr_core, axis=1)  # [N, D]
    nbr_sumed = _batch_norm(nbr_sumed, bn2_gamma, bn2_beta)
    skip_val = atom_in_fea @ W_skip + b_skip
    out = jax.nn.softplus(skip_val + nbr_sumed)
    return out

if __name__ == "__main__":
    import jax
    _d = setup_inputs()
    print(jax.jit(kernel)(*tuple(_d.values())))

</pallas_src>

<mosaic_0001>
#map = affine_map<(d0, d1) -> (0, 0)>
#map1 = affine_map<(d0, d1) -> (0)>
module attributes {stable_mosaic.version = 14 : i64} {
  func.func @_sc_gather_body(%arg0: i32, %arg1: i32, %arg2: memref<10000x128xf32, #tpu.memory_space<hbm>>, %arg3: memref<327680xi32, #tpu.memory_space<hbm>>, %arg4: memref<320000x128xf32, #tpu.memory_space<hbm>>, %arg5: memref<10240xi32, #tpu.memory_space<vmem>>, %arg6: memref<4x128x128xf32, #tpu.memory_space<vmem>>, %arg7: memref<!tpu.dma_semaphore, #tpu.memory_space<semaphore_mem>>, %arg8: memref<!tpu.dma_semaphore, #tpu.memory_space<semaphore_mem>>) attributes {dimension_semantics = [#tpu.dimension_semantics<core_parallel>, #tpu.dimension_semantics<subcore_parallel>], iteration_bounds = array<i64: 2, 16>, scalar_prefetch = 0 : i64, scratch_operands = 4 : i64, tpu.core_type = #tpu.core_type<sc_vector_subcore>, window_params = [{transform_indices = #map}, {transform_indices = #map1}, {transform_indices = #map}]} {
    %mul3A = arith.constant 2 : i32
    %mul3A_0 = arith.muli %arg1, %mul3A : i32
    %add3A = arith.addi %mul3A_0, %arg0 : i32
    %mul3A_1 = arith.constant 80 : i32
    %mul3A_2 = arith.muli %add3A, %mul3A_1 : i32
    %mul3A_3 = arith.constant 128 : i32
    %mul3A_4 = arith.muli %mul3A_2, %mul3A_3 : i32
    "tpu.region"() ({
      %run_scoped3A = tpu.sem_alloc : memref<!tpu.dma_semaphore, #tpu.memory_space<semaphore_mem>>
      %dma_start3A = tpu.memref_slice %arg3[%mul3A_4] : memref<327680xi32, #tpu.memory_space<hbm>> -> memref<10240xi32, #tpu.memory_space<hbm>>
      %dma_start3A_42 = tpu.memref_slice %arg3[%mul3A_4] : memref<327680xi32, #tpu.memory_space<hbm>> -> memref<10240xi32, #tpu.memory_space<hbm>>
      tpu.enqueue_dma source(%dma_start3A_42 : memref<10240xi32, #tpu.memory_space<hbm>>) target(%arg5 : memref<10240xi32, #tpu.memory_space<vmem>>) target_semaphore(%run_scoped3A : memref<!tpu.dma_semaphore, #tpu.memory_space<semaphore_mem>>)
      %dma_wait3A = tpu.memref_slice %arg3[%mul3A_4] : memref<327680xi32, #tpu.memory_space<hbm>> -> memref<10240xi32, #tpu.memory_space<hbm>>
      %dma_wait3A_43 = tpu.memref_slice %arg3[%mul3A_4] : memref<327680xi32, #tpu.memory_space<hbm>> -> memref<10240xi32, #tpu.memory_space<hbm>>
      tpu.wait_dma2 semaphore(%run_scoped3A : memref<!tpu.dma_semaphore, #tpu.memory_space<semaphore_mem>>) src(%dma_wait3A_43 : memref<10240xi32, #tpu.memory_space<hbm>>) dst(%arg5 : memref<10240xi32, #tpu.memory_space<vmem>>)
      tpu.yield
    }) : () -> ()
    %scan3A = arith.constant 0 : i32
    %scan3A_5 = arith.constant 0 : i32
    %scan3A_6 = arith.constant 20 : i32
    %scan3A_7 = arith.addi %scan3A_5, %scan3A_6 : i32
    %scan3A_8 = arith.constant 1 : i32
    scf.for %scan3A_42 = %scan3A_5 to %scan3A_7 step %scan3A_8  : i32 {
      %mul3A_43 = arith.constant 4 : i32
      %mul3A_44 = arith.muli %scan3A_42, %mul3A_43 : i32
      %add3A_45 = arith.constant 0 : i32
      %add3A_46 = arith.addi %mul3A_44, %add3A_45 : i32
      %add3A_47 = arith.addi %mul3A_2, %add3A_46 : i32
      %gt3A = arith.constant 0 : i32
      %gt3A_48 = arith.cmpi sgt, %scan3A_42, %gt3A : i32
      %sub3A = arith.constant 4 : i32
      %sub3A_49 = arith.subi %add3A_47, %sub3A : i32
      %lt3A_50 = arith.constant 2500 : i32
      %lt3A_51 = arith.cmpi slt, %sub3A_49, %lt3A_50 : i32
      %and3A = arith.andi %gt3A_48, %lt3A_51 : i1
      %convert_element_type3A_52 = arith.extui %and3A : i1 to i32
      %cond3A_53 = arith.constant 0 : i32
      %cond3A_54 = arith.cmpi ne, %convert_element_type3A_52, %cond3A_53 : i32
      scf.if %cond3A_54 {
        %dma_wait3A = arith.constant 0 : i32
        %dma_wait3A_151 = arith.constant 0 : i32
        %dma_wait3A_152 = arith.constant 0 : i32
        %dma_wait3A_153 = tpu.memref_slice %arg6[%dma_wait3A, %dma_wait3A_151, %dma_wait3A_152] : memref<4x128x128xf32, #tpu.memory_space<vmem>> -> memref<1x128x128xf32, #tpu.memory_space<vmem>>
        %dma_wait3A_154 = tpu.memref_squeeze %dma_wait3A_153 : memref<1x128x128xf32, #tpu.memory_space<vmem>> -> memref<128x128xf32, #tpu.memory_space<vmem>>
        %dma_wait3A_155 = arith.constant 0 : i32
        %dma_wait3A_156 = arith.constant 0 : i32
        %dma_wait3A_157 = tpu.memref_slice %arg4[%dma_wait3A_155, %dma_wait3A_156] : memref<320000x128xf32, #tpu.memory_space<hbm>> -> memref<128x128xf32, #tpu.memory_space<hbm>>
        %dma_wait3A_158 = arith.constant 0 : i32
        %dma_wait3A_159 = arith.constant 0 : i32
        %dma_wait3A_160 = tpu.memref_slice %arg4[%dma_wait3A_158, %dma_wait3A_159] : memref<320000x128xf32, #tpu.memory_space<hbm>> -> memref<128x128xf32, #tpu.memory_space<hbm>>
        %dma_wait3A_161 = arith.constant 0 : i32
        %dma_wait3A_162 = arith.constant 0 : i32
        %dma_wait3A_163 = tpu.memref_slice %arg6[%dma_wait3A, %dma_wait3A_161, %dma_wait3A_162] : memref<4x128x128xf32, #tpu.memory_space<vmem>> -> memref<1x128x128xf32, #tpu.memory_space<vmem>>
        %dma_wait3A_164 = tpu.memref_squeeze %dma_wait3A_163 : memref<1x128x128xf32, #tpu.memory_space<vmem>> -> memref<128x128xf32, #tpu.memory_space<vmem>>
        tpu.wait_dma2 semaphore(%arg8 : memref<!tpu.dma_semaphore, #tpu.memory_space<semaphore_mem>>) src(%dma_wait3A_164 : memref<128x128xf32, #tpu.memory_space<vmem>>) dst(%dma_wait3A_160 : memref<128x128xf32, #tpu.memory_space<hbm>>)
      } else {
      }
      %lt3A_55 = arith.constant 2500 : i32
      %lt3A_56 = arith.cmpi slt, %add3A_47, %lt3A_55 : i32
      %convert_element_type3A_57 = arith.extui %lt3A_56 : i1 to i32
      %cond3A_58 = arith.constant 0 : i32
      %cond3A_59 = arith.cmpi ne, %convert_element_type3A_57, %cond3A_58 : i32
      scf.if %cond3A_59 {
        %mul3A_151 = arith.constant 128 : i32
        %mul3A_152 = arith.muli %add3A_46, %mul3A_151 : i32
        %dma_start3A = arith.constant 0 : i32
        %dma_start3A_153 = arith.constant 0 : i32
        %dma_start3A_154 = arith.constant 0 : i32
        %dma_start3A_155 = tpu.memref_slice %arg6[%dma_start3A, %dma_start3A_153, %dma_start3A_154] : memref<4x128x128xf32, #tpu.memory_space<vmem>> -> memref<1x128x128xf32, #tpu.memory_space<vmem>>
        %dma_start3A_156 = tpu.memref_squeeze %dma_start3A_155 : memref<1x128x128xf32, #tpu.memory_space<vmem>> -> memref<128x128xf32, #tpu.memory_space<vmem>>
        %dma_start3A_157 = tpu.memref_slice %arg5[%mul3A_152] : memref<10240xi32, #tpu.memory_space<vmem>> -> memref<128xi32, #tpu.memory_space<vmem>>
        %dma_start3A_158 = arith.constant 0 : i32
        %dma_start3A_159 = arith.constant 0 : i32
        %dma_start3A_160 = tpu.memref_slice %arg2[%dma_start3A_158, %dma_start3A_159] : memref<10000x128xf32, #tpu.memory_space<hbm>> -> memref<10000x128xf32, #tpu.memory_space<hbm>>
        tpu.enqueue_indirect_dma source(%dma_start3A_160 : memref<10000x128xf32, #tpu.memory_space<hbm>>) target(%dma_start3A_156 : memref<128x128xf32, #tpu.memory_space<vmem>>) offsets(%dma_start3A_157 : memref<128xi32, #tpu.memory_space<vmem>>) semaphore(%arg7 : memref<!tpu.dma_semaphore, #tpu.memory_space<semaphore_mem>>)
      } else {
      }
      %sub3A_60 = arith.constant 1 : i32
      %sub3A_61 = arith.subi %add3A_47, %sub3A_60 : i32
      %lt3A_62 = arith.constant 2500 : i32
      %lt3A_63 = arith.cmpi slt, %sub3A_61, %lt3A_62 : i32
      %gt3A_64 = arith.constant 0 : i32
      %gt3A_65 = arith.cmpi sgt, %scan3A_42, %gt3A_64 : i32
      %and3A_66 = arith.andi %gt3A_65, %lt3A_63 : i1
      %convert_element_type3A_67 = arith.extui %and3A_66 : i1 to i32
      %cond3A_68 = arith.constant 0 : i32
      %cond3A_69 = arith.cmpi ne, %convert_element_type3A_67, %cond3A_68 : i32
      scf.if %cond3A_69 {
        %sub3A_151 = arith.constant 1 : i32
        %sub3A_152 = arith.subi %add3A_46, %sub3A_151 : i32
        %mul3A_153 = arith.constant 128 : i32
        %mul3A_154 = arith.muli %sub3A_152, %mul3A_153 : i32
        %dma_wait3A = arith.constant 3 : i32
        %dma_wait3A_155 = arith.constant 0 : i32
        %dma_wait3A_156 = arith.constant 0 : i32
        %dma_wait3A_157 = tpu.memref_slice %arg6[%dma_wait3A, %dma_wait3A_155, %dma_wait3A_156] : memref<4x128x128xf32, #tpu.memory_space<vmem>> -> memref<1x128x128xf32, #tpu.memory_space<vmem>>
        %dma_wait3A_158 = tpu.memref_squeeze %dma_wait3A_157 : memref<1x128x128xf32, #tpu.memory_space<vmem>> -> memref<128x128xf32, #tpu.memory_space<vmem>>
        %dma_wait3A_159 = tpu.memref_slice %arg5[%mul3A_154] : memref<10240xi32, #tpu.memory_space<vmem>> -> memref<128xi32, #tpu.memory_space<vmem>>
        %dma_wait3A_160 = arith.constant 0 : i32
        %dma_wait3A_161 = arith.constant 0 : i32
        %dma_wait3A_162 = tpu.memref_slice %arg2[%dma_wait3A_160, %dma_wait3A_161] : memref<10000x128xf32, #tpu.memory_space<hbm>> -> memref<10000x128xf32, #tpu.memory_space<hbm>>
        tpu.wait_indirect_dma semaphore(%arg7 : memref<!tpu.dma_semaphore, #tpu.memory_space<semaphore_mem>>) src(%dma_wait3A_162 : memref<10000x128xf32, #tpu.memory_space<hbm>>) dst(%dma_wait3A_158 : memref<128x128xf32, #tpu.memory_space<vmem>>)
        %sub3A_163 = arith.constant 1 : i32
        %sub3A_164 = arith.subi %add3A_47, %sub3A_163 : i32
        %mul3A_165 = arith.constant 128 : i32
        %mul3A_166 = arith.muli %sub3A_164, %mul3A_165 : i32
        %dma_start3A = arith.constant 3 : i32
        %dma_start3A_167 = arith.constant 0 : i32
        %dma_start3A_168 = arith.constant 0 : i32
        %dma_start3A_169 = tpu.memref_slice %arg6[%dma_start3A, %dma_start3A_167, %dma_start3A_168] : memref<4x128x128xf32, #tpu.memory_space<vmem>> -> memref<1x128x128xf32, #tpu.memory_space<vmem>>
        %dma_start3A_170 = tpu.memref_squeeze %dma_start3A_169 : memref<1x128x128xf32, #tpu.memory_space<vmem>> -> memref<128x128xf32, #tpu.memory_space<vmem>>
        %dma_start3A_171 = arith.constant 0 : i32
        %dma_start3A_172 = tpu.memref_slice %arg4[%mul3A_166, %dma_start3A_171] : memref<320000x128xf32, #tpu.memory_space<hbm>> -> memref<128x128xf32, #tpu.memory_space<hbm>>
        %dma_start3A_173 = arith.constant 0 : i32
        %dma_start3A_174 = tpu.memref_slice %arg4[%mul3A_166, %dma_start3A_173] : memref<320000x128xf32, #tpu.memory_space<hbm>> -> memref<128x128xf32, #tpu.memory_space<hbm>>
        %dma_start3A_175 = arith.constant 0 : i32
        %dma_start3A_176 = arith.constant 0 : i32
        %dma_start3A_177 = tpu.memref_slice %arg6[%dma_start3A, %dma_start3A_175, %dma_start3A_176] : memref<4x128x128xf32, #tpu.memory_space<vmem>> -> memref<1x128x128xf32, #tpu.memory_space<vmem>>
        %dma_start3A_178 = tpu.memref_squeeze %dma_start3A_177 : memref<1x128x128xf32, #tpu.memory_space<vmem>> -> memref<128x128xf32, #tpu.memory_space<vmem>>
        tpu.enqueue_dma source(%dma_start3A_178 : memref<128x128xf32, #tpu.memory_space<vmem>>) target(%dma_start3A_174 : memref<128x128xf32, #tpu.memory_space<hbm>>) target_semaphore(%arg8 : memref<!tpu.dma_semaphore, #tpu.memory_space<semaphore_mem>>)
      } else {
      }
      %mul3A_70 = arith.constant 4 : i32
      %mul3A_71 = arith.muli %scan3A_42, %mul3A_70 : i32
      %add3A_72 = arith.constant 1 : i32
      %add3A_73 = arith.addi %mul3A_71, %add3A_72 : i32
      %add3A_74 = arith.addi %mul3A_2, %add3A_73 : i32
      %gt3A_75 = arith.constant 0 : i32
      %gt3A_76 = arith.cmpi sgt, %scan3A_42, %gt3A_75 : i32
      %sub3A_77 = arith.constant 4 : i32
      %sub3A_78 = arith.subi %add3A_74, %sub3A_77 : i32
      %lt3A_79 = arith.constant 2500 : i32
      %lt3A_80 = arith.cmpi slt, %sub3A_78, %lt3A_79 : i32
      %and3A_81 = arith.andi %gt3A_76, %lt3A_80 : i1
      %convert_element_type3A_82 = arith.extui %and3A_81 : i1 to i32
      %cond3A_83 = arith.constant 0 : i32
      %cond3A_84 = arith.cmpi ne, %convert_element_type3A_82, %cond3A_83 : i32
      scf.if %cond3A_84 {
        %dma_wait3A = arith.constant 0 : i32
        %dma_wait3A_151 = arith.constant 0 : i32
        %dma_wait3A_152 = arith.constant 0 : i32
        %dma_wait3A_153 = tpu.memref_slice %arg6[%dma_wait3A, %dma_wait3A_151, %dma_wait3A_152] : memref<4x128x128xf32, #tpu.memory_space<vmem>> -> memref<1x128x128xf32, #tpu.memory_space<vmem>>
        %dma_wait3A_154 = tpu.memref_squeeze %dma_wait3A_153 : memref<1x128x128xf32, #tpu.memory_space<vmem>> -> memref<128x128xf32, #tpu.memory_space<vmem>>
        %dma_wait3A_155 = arith.constant 0 : i32
        %dma_wait3A_156 = arith.constant 0 : i32
        %dma_wait3A_157 = tpu.memref_slice %arg4[%dma_wait3A_155, %dma_wait3A_156] : memref<320000x128xf32, #tpu.memory_space<hbm>> -> memref<128x128xf32, #tpu.memory_space<hbm>>
        %dma_wait3A_158 = arith.constant 0 : i32
        %dma_wait3A_159 = arith.constant 0 : i32
        %dma_wait3A_160 = tpu.memref_slice %arg4[%dma_wait3A_158, %dma_wait3A_159] : memref<320000x128xf32, #tpu.memory_space<hbm>> -> memref<128x128xf32, #tpu.memory_space<hbm>>
        %dma_wait3A_161 = arith.constant 0 : i32
        %dma_wait3A_162 = arith.constant 0 : i32
        %dma_wait3A_163 = tpu.memref_slice %arg6[%dma_wait3A, %dma_wait3A_161, %dma_wait3A_162] : memref<4x128x128xf32, #tpu.memory_space<vmem>> -> memref<1x128x128xf32, #tpu.memory_space<vmem>>
        %dma_wait3A_164 = tpu.memref_squeeze %dma_wait3A_163 : memref<1x128x128xf32, #tpu.memory_space<vmem>> -> memref<128x128xf32, #tpu.memory_space<vmem>>
        tpu.wait_dma2 semaphore(%arg8 : memref<!tpu.dma_semaphore, #tpu.memory_space<semaphore_mem>>) src(%dma_wait3A_164 : memref<128x128xf32, #tpu.memory_space<vmem>>) dst(%dma_wait3A_160 : memref<128x128xf32, #tpu.memory_space<hbm>>)
      } else {
      }
      %lt3A_85 = arith.constant 2500 : i32
      %lt3A_86 = arith.cmpi slt, %add3A_74, %lt3A_85 : i32
      %convert_element_type3A_87 = arith.extui %lt3A_86 : i1 to i32
      %cond3A_88 = arith.constant 0 : i32
      %cond3A_89 = arith.cmpi ne, %convert_element_type3A_87, %cond3A_88 : i32
      scf.if %cond3A_89 {
        %mul3A_151 = arith.constant 128 : i32
        %mul3A_152 = arith.muli %add3A_73, %mul3A_151 : i32
        %dma_start3A = arith.constant 1 : i32
        %dma_start3A_153 = arith.constant 0 : i32
        %dma_start3A_154 = arith.constant 0 : i32
        %dma_start3A_155 = tpu.memref_slice %arg6[%dma_start3A, %dma_start3A_153, %dma_start3A_154] : memref<4x128x128xf32, #tpu.memory_space<vmem>> -> memref<1x128x128xf32, #tpu.memory_space<vmem>>
        %dma_start3A_156 = tpu.memref_squeeze %dma_start3A_155 : memref<1x128x128xf32, #tpu.memory_space<vmem>> -> memref<128x128xf32, #tpu.memory_space<vmem>>
        %dma_start3A_157 = tpu.memref_slice %arg5[%mul3A_152] : memref<10240xi32, #tpu.memory_space<vmem>> -> memref<128xi32, #tpu.memory_space<vmem>>
        %dma_start3A_158 = arith.constant 0 : i32
        %dma_start3A_159 = arith.constant 0 : i32
        %dma_start3A_160 = tpu.memref_slice %arg2[%dma_start3A_158, %dma_start3A_159] : memref<10000x128xf32, #tpu.memory_space<hbm>> -> memref<10000x128xf32, #tpu.memory_space<hbm>>
        tpu.enqueue_indirect_dma source(%dma_start3A_160 : memref<10000x128xf32, #tpu.memory_space<hbm>>) target(%dma_start3A_156 : memref<128x128xf32, #tpu.memory_space<vmem>>) offsets(%dma_start3A_157 : memref<128xi32, #tpu.memory_space<vmem>>) semaphore(%arg7 : memref<!tpu.dma_semaphore, #tpu.memory_space<semaphore_mem>>)
      } else {
      }
      %sub3A_90 = arith.constant 1 : i32
      %sub3A_91 = arith.subi %add3A_74, %sub3A_90 : i32
      %lt3A_92 = arith.constant 2500 : i32
      %lt3A_93 = arith.cmpi slt, %sub3A_91, %lt3A_92 : i32
      %convert_element_type3A_94 = arith.extui %lt3A_93 : i1 to i32
      %cond3A_95 = arith.constant 0 : i32
      %cond3A_96 = arith.cmpi ne, %convert_element_type3A_94, %cond3A_95 : i32
      scf.if %cond3A_96 {
        %sub3A_151 = arith.constant 1 : i32
        %sub3A_152 = arith.subi %add3A_73, %sub3A_151 : i32
        %mul3A_153 = arith.constant 128 : i32
        %mul3A_154 = arith.muli %sub3A_152, %mul3A_153 : i32
        %dma_wait3A = arith.constant 0 : i32
        %dma_wait3A_155 = arith.constant 0 : i32
        %dma_wait3A_156 = arith.constant 0 : i32
        %dma_wait3A_157 = tpu.memref_slice %arg6[%dma_wait3A, %dma_wait3A_155, %dma_wait3A_156] : memref<4x128x128xf32, #tpu.memory_space<vmem>> -> memref<1x128x128xf32, #tpu.memory_space<vmem>>
        %dma_wait3A_158 = tpu.memref_squeeze %dma_wait3A_157 : memref<1x128x128xf32, #tpu.memory_space<vmem>> -> memref<128x128xf32, #tpu.memory_space<vmem>>
        %dma_wait3A_159 = tpu.memref_slice %arg5[%mul3A_154] : memref<10240xi32, #tpu.memory_space<vmem>> -> memref<128xi32, #tpu.memory_space<vmem>>
        %dma_wait3A_160 = arith.constant 0 : i32
        %dma_wait3A_161 = arith.constant 0 : i32
        %dma_wait3A_162 = tpu.memref_slice %arg2[%dma_wait3A_160, %dma_wait3A_161] : memref<10000x128xf32, #tpu.memory_space<hbm>> -> memref<10000x128xf32, #tpu.memory_space<hbm>>
        tpu.wait_indirect_dma semaphore(%arg7 : memref<!tpu.dma_semaphore, #tpu.memory_space<semaphore_mem>>) src(%dma_wait3A_162 : memref<10000x128xf32, #tpu.memory_space<hbm>>) dst(%dma_wait3A_158 : memref<128x128xf32, #tpu.memory_space<vmem>>)
        %sub3A_163 = arith.constant 1 : i32
        %sub3A_164 = arith.subi %add3A_74, %sub3A_163 : i32
        %mul3A_165 = arith.constant 128 : i32
        %mul3A_166 = arith.muli %sub3A_164, %mul3A_165 : i32
        %dma_start3A = arith.constant 0 : i32
        %dma_start3A_167 = arith.constant 0 : i32
        %dma_start3A_168 = arith.constant 0 : i32
        %dma_start3A_169 = tpu.memref_slice %arg6[%dma_start3A, %dma_start3A_167, %dma_start3A_168] : memref<4x128x128xf32, #tpu.memory_space<vmem>> -> memref<1x128x128xf32, #tpu.memory_space<vmem>>
        %dma_start3A_170 = tpu.memref_squeeze %dma_start3A_169 : memref<1x128x128xf32, #tpu.memory_space<vmem>> -> memref<128x128xf32, #tpu.memory_space<vmem>>
        %dma_start3A_171 = arith.constant 0 : i32
        %dma_start3A_172 = tpu.memref_slice %arg4[%mul3A_166, %dma_start3A_171] : memref<320000x128xf32, #tpu.memory_space<hbm>> -> memref<128x128xf32, #tpu.memory_space<hbm>>
        %dma_start3A_173 = arith.constant 0 : i32
        %dma_start3A_174 = tpu.memref_slice %arg4[%mul3A_166, %dma_start3A_173] : memref<320000x128xf32, #tpu.memory_space<hbm>> -> memref<128x128xf32, #tpu.memory_space<hbm>>
        %dma_start3A_175 = arith.constant 0 : i32
        %dma_start3A_176 = arith.constant 0 : i32
        %dma_start3A_177 = tpu.memref_slice %arg6[%dma_start3A, %dma_start3A_175, %dma_start3A_176] : memref<4x128x128xf32, #tpu.memory_space<vmem>> -> memref<1x128x128xf32, #tpu.memory_space<vmem>>
        %dma_start3A_178 = tpu.memref_squeeze %dma_start3A_177 : memref<1x128x128xf32, #tpu.memory_space<vmem>> -> memref<128x128xf32, #tpu.memory_space<vmem>>
        tpu.enqueue_dma source(%dma_start3A_178 : memref<128x128xf32, #tpu.memory_space<vmem>>) target(%dma_start3A_174 : memref<128x128xf32, #tpu.memory_space<hbm>>) target_semaphore(%arg8 : memref<!tpu.dma_semaphore, #tpu.memory_space<semaphore_mem>>)
      } else {
      }
      %mul3A_97 = arith.constant 4 : i32
      %mul3A_98 = arith.muli %scan3A_42, %mul3A_97 : i32
      %add3A_99 = arith.constant 2 : i32
      %add3A_100 = arith.addi %mul3A_98, %add3A_99 : i32
      %add3A_101 = arith.addi %mul3A_2, %add3A_100 : i32
      %gt3A_102 = arith.constant 0 : i32
      %gt3A_103 = arith.cmpi sgt, %scan3A_42, %gt3A_102 : i32
      %sub3A_104 = arith.constant 4 : i32
      %sub3A_105 = arith.subi %add3A_101, %sub3A_104 : i32
      %lt3A_106 = arith.constant 2500 : i32
      %lt3A_107 = arith.cmpi slt, %sub3A_105, %lt3A_106 : i32
      %and3A_108 = arith.andi %gt3A_103, %lt3A_107 : i1
      %convert_element_type3A_109 = arith.extui %and3A_108 : i1 to i32
      %cond3A_110 = arith.constant 0 : i32
      %cond3A_111 = arith.cmpi ne, %convert_element_type3A_109, %cond3A_110 : i32
      scf.if %cond3A_111 {
        %dma_wait3A = arith.constant 0 : i32
        %dma_wait3A_151 = arith.constant 0 : i32
        %dma_wait3A_152 = arith.constant 0 : i32
        %dma_wait3A_153 = tpu.memref_slice %arg6[%dma_wait3A, %dma_wait3A_151, %dma_wait3A_152] : memref<4x128x128xf32, #tpu.memory_space<vmem>> -> memref<1x128x128xf32, #tpu.memory_space<vmem>>
        %dma_wait3A_154 = tpu.memref_squeeze %dma_wait3A_153 : memref<1x128x128xf32, #tpu.memory_space<vmem>> -> memref<128x128xf32, #tpu.memory_space<vmem>>
        %dma_wait3A_155 = arith.constant 0 : i32
        %dma_wait3A_156 = arith.constant 0 : i32
        %dma_wait3A_157 = tpu.memref_slice %arg4[%dma_wait3A_155, %dma_wait3A_156] : memref<320000x128xf32, #tpu.memory_space<hbm>> -> memref<128x128xf32, #tpu.memory_space<hbm>>
        %dma_wait3A_158 = arith.constant 0 : i32
        %dma_wait3A_159 = arith.constant 0 : i32
        %dma_wait3A_160 = tpu.memref_slice %arg4[%dma_wait3A_158, %dma_wait3A_159] : memref<320000x128xf32, #tpu.memory_space<hbm>> -> memref<128x128xf32, #tpu.memory_space<hbm>>
        %dma_wait3A_161 = arith.constant 0 : i32
        %dma_wait3A_162 = arith.constant 0 : i32
        %dma_wait3A_163 = tpu.memref_slice %arg6[%dma_wait3A, %dma_wait3A_161, %dma_wait3A_162] : memref<4x128x128xf32, #tpu.memory_space<vmem>> -> memref<1x128x128xf32, #tpu.memory_space<vmem>>
        %dma_wait3A_164 = tpu.memref_squeeze %dma_wait3A_163 : memref<1x128x128xf32, #tpu.memory_space<vmem>> -> memref<128x128xf32, #tpu.memory_space<vmem>>
        tpu.wait_dma2 semaphore(%arg8 : memref<!tpu.dma_semaphore, #tpu.memory_space<semaphore_mem>>) src(%dma_wait3A_164 : memref<128x128xf32, #tpu.memory_space<vmem>>) dst(%dma_wait3A_160 : memref<128x128xf32, #tpu.memory_space<hbm>>)
      } else {
      }
      %lt3A_112 = arith.constant 2500 : i32
      %lt3A_113 = arith.cmpi slt, %add3A_101, %lt3A_112 : i32
      %convert_element_type3A_114 = arith.extui %lt3A_113 : i1 to i32
      %cond3A_115 = arith.constant 0 : i32
      %cond3A_116 = arith.cmpi ne, %convert_element_type3A_114, %cond3A_115 : i32
      scf.if %cond3A_116 {
        %mul3A_151 = arith.constant 128 : i32
        %mul3A_152 = arith.muli %add3A_100, %mul3A_151 : i32
        %dma_start3A = arith.constant 2 : i32
        %dma_start3A_153 = arith.constant 0 : i32
        %dma_start3A_154 = arith.constant 0 : i32
        %dma_start3A_155 = tpu.memref_slice %arg6[%dma_start3A, %dma_start3A_153, %dma_start3A_154] : memref<4x128x128xf32, #tpu.memory_space<vmem>> -> memref<1x128x128xf32, #tpu.memory_space<vmem>>
        %dma_start3A_156 = tpu.memref_squeeze %dma_start3A_155 : memref<1x128x128xf32, #tpu.memory_space<vmem>> -> memref<128x128xf32, #tpu.memory_space<vmem>>
        %dma_start3A_157 = tpu.memref_slice %arg5[%mul3A_152] : memref<10240xi32, #tpu.memory_space<vmem>> -> memref<128xi32, #tpu.memory_space<vmem>>
        %dma_start3A_158 = arith.constant 0 : i32
        %dma_start3A_159 = arith.constant 0 : i32
        %dma_start3A_160 = tpu.memref_slice %arg2[%dma_start3A_158, %dma_start3A_159] : memref<10000x128xf32, #tpu.memory_space<hbm>> -> memref<10000x128xf32, #tpu.memory_space<hbm>>
        tpu.enqueue_indirect_dma source(%dma_start3A_160 : memref<10000x128xf32, #tpu.memory_space<hbm>>) target(%dma_start3A_156 : memref<128x128xf32, #tpu.memory_space<vmem>>) offsets(%dma_start3A_157 : memref<128xi32, #tpu.memory_space<vmem>>) semaphore(%arg7 : memref<!tpu.dma_semaphore, #tpu.memory_space<semaphore_mem>>)
      } else {
      }
      %sub3A_117 = arith.constant 1 : i32
      %sub3A_118 = arith.subi %add3A_101, %sub3A_117 : i32
      %lt3A_119 = arith.constant 2500 : i32
      %lt3A_120 = arith.cmpi slt, %sub3A_118, %lt3A_119 : i32
      %convert_element_type3A_121 = arith.extui %lt3A_120 : i1 to i32
      %cond3A_122 = arith.constant 0 : i32
      %cond3A_123 = arith.cmpi ne, %convert_element_type3A_121, %cond3A_122 : i32
      scf.if %cond3A_123 {
        %sub3A_151 = arith.constant 1 : i32
        %sub3A_152 = arith.subi %add3A_100, %sub3A_151 : i32
        %mul3A_153 = arith.constant 128 : i32
        %mul3A_154 = arith.muli %sub3A_152, %mul3A_153 : i32
        %dma_wait3A = arith.constant 1 : i32
        %dma_wait3A_155 = arith.constant 0 : i32
        %dma_wait3A_156 = arith.constant 0 : i32
        %dma_wait3A_157 = tpu.memref_slice %arg6[%dma_wait3A, %dma_wait3A_155, %dma_wait3A_156] : memref<4x128x128xf32, #tpu.memory_space<vmem>> -> memref<1x128x128xf32, #tpu.memory_space<vmem>>
        %dma_wait3A_158 = tpu.memref_squeeze %dma_wait3A_157 : memref<1x128x128xf32, #tpu.memory_space<vmem>> -> memref<128x128xf32, #tpu.memory_space<vmem>>
        %dma_wait3A_159 = tpu.memref_slice %arg5[%mul3A_154] : memref<10240xi32, #tpu.memory_space<vmem>> -> memref<128xi32, #tpu.memory_space<vmem>>
        %dma_wait3A_160 = arith.constant 0 : i32
        %dma_wait3A_161 = arith.constant 0 : i32
        %dma_wait3A_162 = tpu.memref_slice %arg2[%dma_wait3A_160, %dma_wait3A_161] : memref<10000x128xf32, #tpu.memory_space<hbm>> -> memref<10000x128xf32, #tpu.memory_space<hbm>>
        tpu.wait_indirect_dma semaphore(%arg7 : memref<!tpu.dma_semaphore, #tpu.memory_space<semaphore_mem>>) src(%dma_wait3A_162 : memref<10000x128xf32, #tpu.memory_space<hbm>>) dst(%dma_wait3A_158 : memref<128x128xf32, #tpu.memory_space<vmem>>)
        %sub3A_163 = arith.constant 1 : i32
        %sub3A_164 = arith.subi %add3A_101, %sub3A_163 : i32
        %mul3A_165 = arith.constant 128 : i32
        %mul3A_166 = arith.muli %sub3A_164, %mul3A_165 : i32
        %dma_start3A = arith.constant 1 : i32
        %dma_start3A_167 = arith.constant 0 : i32
        %dma_start3A_168 = arith.constant 0 : i32
        %dma_start3A_169 = tpu.memref_slice %arg6[%dma_start3A, %dma_start3A_167, %dma_start3A_168] : memref<4x128x128xf32, #tpu.memory_space<vmem>> -> memref<1x128x128xf32, #tpu.memory_space<vmem>>
        %dma_start3A_170 = tpu.memref_squeeze %dma_start3A_169 : memref<1x128x128xf32, #tpu.memory_space<vmem>> -> memref<128x128xf32, #tpu.memory_space<vmem>>
        %dma_start3A_171 = arith.constant 0 : i32
        %dma_start3A_172 = tpu.memref_slice %arg4[%mul3A_166, %dma_start3A_171] : memref<320000x128xf32, #tpu.memory_space<hbm>> -> memref<128x128xf32, #tpu.memory_space<hbm>>
        %dma_start3A_173 = arith.constant 0 : i32
        %dma_start3A_174 = tpu.memref_slice %arg4[%mul3A_166, %dma_start3A_173] : memref<320000x128xf32, #tpu.memory_space<hbm>> -> memref<128x128xf32, #tpu.memory_space<hbm>>
        %dma_start3A_175 = arith.constant 0 : i32
        %dma_start3A_176 = arith.constant 0 : i32
        %dma_start3A_177 = tpu.memref_slice %arg6[%dma_start3A, %dma_start3A_175, %dma_start3A_176] : memref<4x128x128xf32, #tpu.memory_space<vmem>> -> memref<1x128x128xf32, #tpu.memory_space<vmem>>
        %dma_start3A_178 = tpu.memref_squeeze %dma_start3A_177 : memref<1x128x128xf32, #tpu.memory_space<vmem>> -> memref<128x128xf32, #tpu.memory_space<vmem>>
        tpu.enqueue_dma source(%dma_start3A_178 : memref<128x128xf32, #tpu.memory_space<vmem>>) target(%dma_start3A_174 : memref<128x128xf32, #tpu.memory_space<hbm>>) target_semaphore(%arg8 : memref<!tpu.dma_semaphore, #tpu.memory_space<semaphore_mem>>)
      } else {
      }
      %mul3A_124 = arith.constant 4 : i32
      %mul3A_125 = arith.muli %scan3A_42, %mul3A_124 : i32
      %add3A_126 = arith.constant 3 : i32
      %add3A_127 = arith.addi %mul3A_125, %add3A_126 : i32
      %add3A_128 = arith.addi %mul3A_2, %add3A_127 : i32
      %gt3A_129 = arith.constant 0 : i32
      %gt3A_130 = arith.cmpi sgt, %scan3A_42, %gt3A_129 : i32
      %sub3A_131 = arith.constant 4 : i32
      %sub3A_132 = arith.subi %add3A_128, %sub3A_131 : i32
      %lt3A_133 = arith.constant 2500 : i32
      %lt3A_134 = arith.cmpi slt, %sub3A_132, %lt3A_133 : i32
      %and3A_135 = arith.andi %gt3A_130, %lt3A_134 : i1
      %convert_element_type3A_136 = arith.extui %and3A_135 : i1 to i32
      %cond3A_137 = arith.constant 0 : i32
      %cond3A_138 = arith.cmpi ne, %convert_element_type3A_136, %cond3A_137 : i32
      scf.if %cond3A_138 {
        %dma_wait3A = arith.constant 0 : i32
        %dma_wait3A_151 = arith.constant 0 : i32
        %dma_wait3A_152 = arith.constant 0 : i32
        %dma_wait3A_153 = tpu.memref_slice %arg6[%dma_wait3A, %dma_wait3A_151, %dma_wait3A_152] : memref<4x128x128xf32, #tpu.memory_space<vmem>> -> memref<1x128x128xf32, #tpu.memory_space<vmem>>
        %dma_wait3A_154 = tpu.memref_squeeze %dma_wait3A_153 : memref<1x128x128xf32, #tpu.memory_space<vmem>> -> memref<128x128xf32, #tpu.memory_space<vmem>>
        %dma_wait3A_155 = arith.constant 0 : i32
        %dma_wait3A_156 = arith.constant 0 : i32
        %dma_wait3A_157 = tpu.memref_slice %arg4[%dma_wait3A_155, %dma_wait3A_156] : memref<320000x128xf32, #tpu.memory_space<hbm>> -> memref<128x128xf32, #tpu.memory_space<hbm>>
        %dma_wait3A_158 = arith.constant 0 : i32
        %dma_wait3A_159 = arith.constant 0 : i32
        %dma_wait3A_160 = tpu.memref_slice %arg4[%dma_wait3A_158, %dma_wait3A_159] : memref<320000x128xf32, #tpu.memory_space<hbm>> -> memref<128x128xf32, #tpu.memory_space<hbm>>
        %dma_wait3A_161 = arith.constant 0 : i32
        %dma_wait3A_162 = arith.constant 0 : i32
        %dma_wait3A_163 = tpu.memref_slice %arg6[%dma_wait3A, %dma_wait3A_161, %dma_wait3A_162] : memref<4x128x128xf32, #tpu.memory_space<vmem>> -> memref<1x128x128xf32, #tpu.memory_space<vmem>>
        %dma_wait3A_164 = tpu.memref_squeeze %dma_wait3A_163 : memref<1x128x128xf32, #tpu.memory_space<vmem>> -> memref<128x128xf32, #tpu.memory_space<vmem>>
        tpu.wait_dma2 semaphore(%arg8 : memref<!tpu.dma_semaphore, #tpu.memory_space<semaphore_mem>>) src(%dma_wait3A_164 : memref<128x128xf32, #tpu.memory_space<vmem>>) dst(%dma_wait3A_160 : memref<128x128xf32, #tpu.memory_space<hbm>>)
      } else {
      }
      %lt3A_139 = arith.constant 2500 : i32
      %lt3A_140 = arith.cmpi slt, %add3A_128, %lt3A_139 : i32
      %convert_element_type3A_141 = arith.extui %lt3A_140 : i1 to i32
      %cond3A_142 = arith.constant 0 : i32
      %cond3A_143 = arith.cmpi ne, %convert_element_type3A_141, %cond3A_142 : i32
      scf.if %cond3A_143 {
        %mul3A_151 = arith.constant 128 : i32
        %mul3A_152 = arith.muli %add3A_127, %mul3A_151 : i32
        %dma_start3A = arith.constant 3 : i32
        %dma_start3A_153 = arith.constant 0 : i32
        %dma_start3A_154 = arith.constant 0 : i32
        %dma_start3A_155 = tpu.memref_slice %arg6[%dma_start3A, %dma_start3A_153, %dma_start3A_154] : memref<4x128x128xf32, #tpu.memory_space<vmem>> -> memref<1x128x128xf32, #tpu.memory_space<vmem>>
        %dma_start3A_156 = tpu.memref_squeeze %dma_start3A_155 : memref<1x128x128xf32, #tpu.memory_space<vmem>> -> memref<128x128xf32, #tpu.memory_space<vmem>>
        %dma_start3A_157 = tpu.memref_slice %arg5[%mul3A_152] : memref<10240xi32, #tpu.memory_space<vmem>> -> memref<128xi32, #tpu.memory_space<vmem>>
        %dma_start3A_158 = arith.constant 0 : i32
        %dma_start3A_159 = arith.constant 0 : i32
        %dma_start3A_160 = tpu.memref_slice %arg2[%dma_start3A_158, %dma_start3A_159] : memref<10000x128xf32, #tpu.memory_space<hbm>> -> memref<10000x128xf32, #tpu.memory_space<hbm>>
        tpu.enqueue_indirect_dma source(%dma_start3A_160 : memref<10000x128xf32, #tpu.memory_space<hbm>>) target(%dma_start3A_156 : memref<128x128xf32, #tpu.memory_space<vmem>>) offsets(%dma_start3A_157 : memref<128xi32, #tpu.memory_space<vmem>>) semaphore(%arg7 : memref<!tpu.dma_semaphore, #tpu.memory_space<semaphore_mem>>)
      } else {
      }
      %sub3A_144 = arith.constant 1 : i32
      %sub3A_145 = arith.subi %add3A_128, %sub3A_144 : i32
      %lt3A_146 = arith.constant 2500 : i32
      %lt3A_147 = arith.cmpi slt, %sub3A_145, %lt3A_146 : i32
      %convert_element_type3A_148 = arith.extui %lt3A_147 : i1 to i32
      %cond3A_149 = arith.constant 0 : i32
      %cond3A_150 = arith.cmpi ne, %convert_element_type3A_148, %cond3A_149 : i32
      scf.if %cond3A_150 {
        %sub3A_151 = arith.constant 1 : i32
        %sub3A_152 = arith.subi %add3A_127, %sub3A_151 : i32
        %mul3A_153 = arith.constant 128 : i32
        %mul3A_154 = arith.muli %sub3A_152, %mul3A_153 : i32
        %dma_wait3A = arith.constant 2 : i32
        %dma_wait3A_155 = arith.constant 0 : i32
        %dma_wait3A_156 = arith.constant 0 : i32
        %dma_wait3A_157 = tpu.memref_slice %arg6[%dma_wait3A, %dma_wait3A_155, %dma_wait3A_156] : memref<4x128x128xf32, #tpu.memory_space<vmem>> -> memref<1x128x128xf32, #tpu.memory_space<vmem>>
        %dma_wait3A_158 = tpu.memref_squeeze %dma_wait3A_157 : memref<1x128x128xf32, #tpu.memory_space<vmem>> -> memref<128x128xf32, #tpu.memory_space<vmem>>
        %dma_wait3A_159 = tpu.memref_slice %arg5[%mul3A_154] : memref<10240xi32, #tpu.memory_space<vmem>> -> memref<128xi32, #tpu.memory_space<vmem>>
        %dma_wait3A_160 = arith.constant 0 : i32
        %dma_wait3A_161 = arith.constant 0 : i32
        %dma_wait3A_162 = tpu.memref_slice %arg2[%dma_wait3A_160, %dma_wait3A_161] : memref<10000x128xf32, #tpu.memory_space<hbm>> -> memref<10000x128xf32, #tpu.memory_space<hbm>>
        tpu.wait_indirect_dma semaphore(%arg7 : memref<!tpu.dma_semaphore, #tpu.memory_space<semaphore_mem>>) src(%dma_wait3A_162 : memref<10000x128xf32, #tpu.memory_space<hbm>>) dst(%dma_wait3A_158 : memref<128x128xf32, #tpu.memory_space<vmem>>)
        %sub3A_163 = arith.constant 1 : i32
        %sub3A_164 = arith.subi %add3A_128, %sub3A_163 : i32
        %mul3A_165 = arith.constant 128 : i32
        %mul3A_166 = arith.muli %sub3A_164, %mul3A_165 : i32
        %dma_start3A = arith.constant 2 : i32
        %dma_start3A_167 = arith.constant 0 : i32
        %dma_start3A_168 = arith.constant 0 : i32
        %dma_start3A_169 = tpu.memref_slice %arg6[%dma_start3A, %dma_start3A_167, %dma_start3A_168] : memref<4x128x128xf32, #tpu.memory_space<vmem>> -> memref<1x128x128xf32, #tpu.memory_space<vmem>>
        %dma_start3A_170 = tpu.memref_squeeze %dma_start3A_169 : memref<1x128x128xf32, #tpu.memory_space<vmem>> -> memref<128x128xf32, #tpu.memory_space<vmem>>
        %dma_start3A_171 = arith.constant 0 : i32
        %dma_start3A_172 = tpu.memref_slice %arg4[%mul3A_166, %dma_start3A_171] : memref<320000x128xf32, #tpu.memory_space<hbm>> -> memref<128x128xf32, #tpu.memory_space<hbm>>
        %dma_start3A_173 = arith.constant 0 : i32
        %dma_start3A_174 = tpu.memref_slice %arg4[%mul3A_166, %dma_start3A_173] : memref<320000x128xf32, #tpu.memory_space<hbm>> -> memref<128x128xf32, #tpu.memory_space<hbm>>
        %dma_start3A_175 = arith.constant 0 : i32
        %dma_start3A_176 = arith.constant 0 : i32
        %dma_start3A_177 = tpu.memref_slice %arg6[%dma_start3A, %dma_start3A_175, %dma_start3A_176] : memref<4x128x128xf32, #tpu.memory_space<vmem>> -> memref<1x128x128xf32, #tpu.memory_space<vmem>>
        %dma_start3A_178 = tpu.memref_squeeze %dma_start3A_177 : memref<1x128x128xf32, #tpu.memory_space<vmem>> -> memref<128x128xf32, #tpu.memory_space<vmem>>
        tpu.enqueue_dma source(%dma_start3A_178 : memref<128x128xf32, #tpu.memory_space<vmem>>) target(%dma_start3A_174 : memref<128x128xf32, #tpu.memory_space<hbm>>) target_semaphore(%arg8 : memref<!tpu.dma_semaphore, #tpu.memory_space<semaphore_mem>>)
      } else {
      }
    }
    %scan3A_9 = arith.constant 20 : i32
    %add3A_10 = arith.constant 79 : i32
    %add3A_11 = arith.addi %mul3A_2, %add3A_10 : i32
    %lt3A = arith.constant 2500 : i32
    %lt3A_12 = arith.cmpi slt, %add3A_11, %lt3A : i32
    %convert_element_type3A = arith.extui %lt3A_12 : i1 to i32
    %cond3A = arith.constant 0 : i32
    %cond3A_13 = arith.cmpi ne, %convert_element_type3A, %cond3A : i32
    scf.if %cond3A_13 {
      %dma_wait3A = arith.constant 3 : i32
      %dma_wait3A_42 = arith.constant 0 : i32
      %dma_wait3A_43 = arith.constant 0 : i32
      %dma_wait3A_44 = tpu.memref_slice %arg6[%dma_wait3A, %dma_wait3A_42, %dma_wait3A_43] : memref<4x128x128xf32, #tpu.memory_space<vmem>> -> memref<1x128x128xf32, #tpu.memory_space<vmem>>
      %dma_wait3A_45 = tpu.memref_squeeze %dma_wait3A_44 : memref<1x128x128xf32, #tpu.memory_space<vmem>> -> memref<128x128xf32, #tpu.memory_space<vmem>>
      %dma_wait3A_46 = arith.constant 10112 : i32
      %dma_wait3A_47 = tpu.memref_slice %arg5[%dma_wait3A_46] : memref<10240xi32, #tpu.memory_space<vmem>> -> memref<128xi32, #tpu.memory_space<vmem>>
      %dma_wait3A_48 = arith.constant 0 : i32
      %dma_wait3A_49 = arith.constant 0 : i32
      %dma_wait3A_50 = tpu.memref_slice %arg2[%dma_wait3A_48, %dma_wait3A_49] : memref<10000x128xf32, #tpu.memory_space<hbm>> -> memref<10000x128xf32, #tpu.memory_space<hbm>>
      tpu.wait_indirect_dma semaphore(%arg7 : memref<!tpu.dma_semaphore, #tpu.memory_space<semaphore_mem>>) src(%dma_wait3A_50 : memref<10000x128xf32, #tpu.memory_space<hbm>>) dst(%dma_wait3A_45 : memref<128x128xf32, #tpu.memory_space<vmem>>)
      %add3A_51 = arith.constant 79 : i32
      %add3A_52 = arith.addi %mul3A_2, %add3A_51 : i32
      %mul3A_53 = arith.constant 128 : i32
      %mul3A_54 = arith.muli %add3A_52, %mul3A_53 : i32
      %dma_start3A = arith.constant 3 : i32
      %dma_start3A_55 = arith.constant 0 : i32
      %dma_start3A_56 = arith.constant 0 : i32
      %dma_start3A_57 = tpu.memref_slice %arg6[%dma_start3A, %dma_start3A_55, %dma_start3A_56] : memref<4x128x128xf32, #tpu.memory_space<vmem>> -> memref<1x128x128xf32, #tpu.memory_space<vmem>>
      %dma_start3A_58 = tpu.memref_squeeze %dma_start3A_57 : memref<1x128x128xf32, #tpu.memory_space<vmem>> -> memref<128x128xf32, #tpu.memory_space<vmem>>
      %dma_start3A_59 = arith.constant 0 : i32
      %dma_start3A_60 = tpu.memref_slice %arg4[%mul3A_54, %dma_start3A_59] : memref<320000x128xf32, #tpu.memory_space<hbm>> -> memref<128x128xf32, #tpu.memory_space<hbm>>
      %dma_start3A_61 = arith.constant 0 : i32
      %dma_start3A_62 = tpu.memref_slice %arg4[%mul3A_54, %dma_start3A_61] : memref<320000x128xf32, #tpu.memory_space<hbm>> -> memref<128x128xf32, #tpu.memory_space<hbm>>
      %dma_start3A_63 = arith.constant 0 : i32
      %dma_start3A_64 = arith.constant 0 : i32
      %dma_start3A_65 = tpu.memref_slice %arg6[%dma_start3A, %dma_start3A_63, %dma_start3A_64] : memref<4x128x128xf32, #tpu.memory_space<vmem>> -> memref<1x128x128xf32, #tpu.memory_space<vmem>>
      %dma_start3A_66 = tpu.memref_squeeze %dma_start3A_65 : memref<1x128x128xf32, #tpu.memory_space<vmem>> -> memref<128x128xf32, #tpu.memory_space<vmem>>
      tpu.enqueue_dma source(%dma_start3A_66 : memref<128x128xf32, #tpu.memory_space<vmem>>) target(%dma_start3A_62 : memref<128x128xf32, #tpu.memory_space<hbm>>) target_semaphore(%arg8 : memref<!tpu.dma_semaphore, #tpu.memory_space<semaphore_mem>>)
    } else {
    }
    %add3A_14 = arith.constant 76 : i32
    %add3A_15 = arith.addi %mul3A_2, %add3A_14 : i32
    %lt3A_16 = arith.constant 2500 : i32
    %lt3A_17 = arith.cmpi slt, %add3A_15, %lt3A_16 : i32
    %convert_element_type3A_18 = arith.extui %lt3A_17 : i1 to i32
    %cond3A_19 = arith.constant 0 : i32
    %cond3A_20 = arith.cmpi ne, %convert_element_type3A_18, %cond3A_19 : i32
    scf.if %cond3A_20 {
      %dma_wait3A = arith.constant 0 : i32
      %dma_wait3A_42 = arith.constant 0 : i32
      %dma_wait3A_43 = arith.constant 0 : i32
      %dma_wait3A_44 = tpu.memref_slice %arg6[%dma_wait3A, %dma_wait3A_42, %dma_wait3A_43] : memref<4x128x128xf32, #tpu.memory_space<vmem>> -> memref<1x128x128xf32, #tpu.memory_space<vmem>>
      %dma_wait3A_45 = tpu.memref_squeeze %dma_wait3A_44 : memref<1x128x128xf32, #tpu.memory_space<vmem>> -> memref<128x128xf32, #tpu.memory_space<vmem>>
      %dma_wait3A_46 = arith.constant 0 : i32
      %dma_wait3A_47 = arith.constant 0 : i32
      %dma_wait3A_48 = tpu.memref_slice %arg4[%dma_wait3A_46, %dma_wait3A_47] : memref<320000x128xf32, #tpu.memory_space<hbm>> -> memref<128x128xf32, #tpu.memory_space<hbm>>
      %dma_wait3A_49 = arith.constant 0 : i32
      %dma_wait3A_50 = arith.constant 0 : i32
      %dma_wait3A_51 = tpu.memref_slice %arg4[%dma_wait3A_49, %dma_wait3A_50] : memref<320000x128xf32, #tpu.memory_space<hbm>> -> memref<128x128xf32, #tpu.memory_space<hbm>>
      %dma_wait3A_52 = arith.constant 0 : i32
      %dma_wait3A_53 = arith.constant 0 : i32
      %dma_wait3A_54 = tpu.memref_slice %arg6[%dma_wait3A, %dma_wait3A_52, %dma_wait3A_53] : memref<4x128x128xf32, #tpu.memory_space<vmem>> -> memref<1x128x128xf32, #tpu.memory_space<vmem>>
      %dma_wait3A_55 = tpu.memref_squeeze %dma_wait3A_54 : memref<1x128x128xf32, #tpu.memory_space<vmem>> -> memref<128x128xf32, #tpu.memory_space<vmem>>
      tpu.wait_dma2 semaphore(%arg8 : memref<!tpu.dma_semaphore, #tpu.memory_space<semaphore_mem>>) src(%dma_wait3A_55 : memref<128x128xf32, #tpu.memory_space<vmem>>) dst(%dma_wait3A_51 : memref<128x128xf32, #tpu.memory_space<hbm>>)
    } else {
    }
    %add3A_21 = arith.constant 77 : i32
    %add3A_22 = arith.addi %mul3A_2, %add3A_21 : i32
    %lt3A_23 = arith.constant 2500 : i32
    %lt3A_24 = arith.cmpi slt, %add3A_22, %lt3A_23 : i32
    %convert_element_type3A_25 = arith.extui %lt3A_24 : i1 to i32
    %cond3A_26 = arith.constant 0 : i32
    %cond3A_27 = arith.cmpi ne, %convert_element_type3A_25, %cond3A_26 : i32
    scf.if %cond3A_27 {
      %dma_wait3A = arith.constant 0 : i32
      %dma_wait3A_42 = arith.constant 0 : i32
      %dma_wait3A_43 = arith.constant 0 : i32
      %dma_wait3A_44 = tpu.memref_slice %arg6[%dma_wait3A, %dma_wait3A_42, %dma_wait3A_43] : memref<4x128x128xf32, #tpu.memory_space<vmem>> -> memref<1x128x128xf32, #tpu.memory_space<vmem>>
      %dma_wait3A_45 = tpu.memref_squeeze %dma_wait3A_44 : memref<1x128x128xf32, #tpu.memory_space<vmem>> -> memref<128x128xf32, #tpu.memory_space<vmem>>
      %dma_wait3A_46 = arith.constant 0 : i32
      %dma_wait3A_47 = arith.constant 0 : i32
      %dma_wait3A_48 = tpu.memref_slice %arg4[%dma_wait3A_46, %dma_wait3A_47] : memref<320000x128xf32, #tpu.memory_space<hbm>> -> memref<128x128xf32, #tpu.memory_space<hbm>>
      %dma_wait3A_49 = arith.constant 0 : i32
      %dma_wait3A_50 = arith.constant 0 : i32
      %dma_wait3A_51 = tpu.memref_slice %arg4[%dma_wait3A_49, %dma_wait3A_50] : memref<320000x128xf32, #tpu.memory_space<hbm>> -> memref<128x128xf32, #tpu.memory_space<hbm>>
      %dma_wait3A_52 = arith.constant 0 : i32
      %dma_wait3A_53 = arith.constant 0 : i32
      %dma_wait3A_54 = tpu.memref_slice %arg6[%dma_wait3A, %dma_wait3A_52, %dma_wait3A_53] : memref<4x128x128xf32, #tpu.memory_space<vmem>> -> memref<1x128x128xf32, #tpu.memory_space<vmem>>
      %dma_wait3A_55 = tpu.memref_squeeze %dma_wait3A_54 : memref<1x128x128xf32, #tpu.memory_space<vmem>> -> memref<128x128xf32, #tpu.memory_space<vmem>>
      tpu.wait_dma2 semaphore(%arg8 : memref<!tpu.dma_semaphore, #tpu.memory_space<semaphore_mem>>) src(%dma_wait3A_55 : memref<128x128xf32, #tpu.memory_space<vmem>>) dst(%dma_wait3A_51 : memref<128x128xf32, #tpu.memory_space<hbm>>)
    } else {
    }
    %add3A_28 = arith.constant 78 : i32
    %add3A_29 = arith.addi %mul3A_2, %add3A_28 : i32
    %lt3A_30 = arith.constant 2500 : i32
    %lt3A_31 = arith.cmpi slt, %add3A_29, %lt3A_30 : i32
    %convert_element_type3A_32 = arith.extui %lt3A_31 : i1 to i32
    %cond3A_33 = arith.constant 0 : i32
    %cond3A_34 = arith.cmpi ne, %convert_element_type3A_32, %cond3A_33 : i32
    scf.if %cond3A_34 {
      %dma_wait3A = arith.constant 0 : i32
      %dma_wait3A_42 = arith.constant 0 : i32
      %dma_wait3A_43 = arith.constant 0 : i32
      %dma_wait3A_44 = tpu.memref_slice %arg6[%dma_wait3A, %dma_wait3A_42, %dma_wait3A_43] : memref<4x128x128xf32, #tpu.memory_space<vmem>> -> memref<1x128x128xf32, #tpu.memory_space<vmem>>
      %dma_wait3A_45 = tpu.memref_squeeze %dma_wait3A_44 : memref<1x128x128xf32, #tpu.memory_space<vmem>> -> memref<128x128xf32, #tpu.memory_space<vmem>>
      %dma_wait3A_46 = arith.constant 0 : i32
      %dma_wait3A_47 = arith.constant 0 : i32
      %dma_wait3A_48 = tpu.memref_slice %arg4[%dma_wait3A_46, %dma_wait3A_47] : memref<320000x128xf32, #tpu.memory_space<hbm>> -> memref<128x128xf32, #tpu.memory_space<hbm>>
      %dma_wait3A_49 = arith.constant 0 : i32
      %dma_wait3A_50 = arith.constant 0 : i32
      %dma_wait3A_51 = tpu.memref_slice %arg4[%dma_wait3A_49, %dma_wait3A_50] : memref<320000x128xf32, #tpu.memory_space<hbm>> -> memref<128x128xf32, #tpu.memory_space<hbm>>
      %dma_wait3A_52 = arith.constant 0 : i32
      %dma_wait3A_53 = arith.constant 0 : i32
      %dma_wait3A_54 = tpu.memref_slice %arg6[%dma_wait3A, %dma_wait3A_52, %dma_wait3A_53] : memref<4x128x128xf32, #tpu.memory_space<vmem>> -> memref<1x128x128xf32, #tpu.memory_space<vmem>>
      %dma_wait3A_55 = tpu.memref_squeeze %dma_wait3A_54 : memref<1x128x128xf32, #tpu.memory_space<vmem>> -> memref<128x128xf32, #tpu.memory_space<vmem>>
      tpu.wait_dma2 semaphore(%arg8 : memref<!tpu.dma_semaphore, #tpu.memory_space<semaphore_mem>>) src(%dma_wait3A_55 : memref<128x128xf32, #tpu.memory_space<vmem>>) dst(%dma_wait3A_51 : memref<128x128xf32, #tpu.memory_space<hbm>>)
    } else {
    }
    %add3A_35 = arith.constant 79 : i32
    %add3A_36 = arith.addi %mul3A_2, %add3A_35 : i32
    %lt3A_37 = arith.constant 2500 : i32
    %lt3A_38 = arith.cmpi slt, %add3A_36, %lt3A_37 : i32
    %convert_element_type3A_39 = arith.extui %lt3A_38 : i1 to i32
    %cond3A_40 = arith.constant 0 : i32
    %cond3A_41 = arith.cmpi ne, %convert_element_type3A_39, %cond3A_40 : i32
    scf.if %cond3A_41 {
      %dma_wait3A = arith.constant 0 : i32
      %dma_wait3A_42 = arith.constant 0 : i32
      %dma_wait3A_43 = arith.constant 0 : i32
      %dma_wait3A_44 = tpu.memref_slice %arg6[%dma_wait3A, %dma_wait3A_42, %dma_wait3A_43] : memref<4x128x128xf32, #tpu.memory_space<vmem>> -> memref<1x128x128xf32, #tpu.memory_space<vmem>>
      %dma_wait3A_45 = tpu.memref_squeeze %dma_wait3A_44 : memref<1x128x128xf32, #tpu.memory_space<vmem>> -> memref<128x128xf32, #tpu.memory_space<vmem>>
      %dma_wait3A_46 = arith.constant 0 : i32
      %dma_wait3A_47 = arith.constant 0 : i32
      %dma_wait3A_48 = tpu.memref_slice %arg4[%dma_wait3A_46, %dma_wait3A_47] : memref<320000x128xf32, #tpu.memory_space<hbm>> -> memref<128x128xf32, #tpu.memory_space<hbm>>
      %dma_wait3A_49 = arith.constant 0 : i32
      %dma_wait3A_50 = arith.constant 0 : i32
      %dma_wait3A_51 = tpu.memref_slice %arg4[%dma_wait3A_49, %dma_wait3A_50] : memref<320000x128xf32, #tpu.memory_space<hbm>> -> memref<128x128xf32, #tpu.memory_space<hbm>>
      %dma_wait3A_52 = arith.constant 0 : i32
      %dma_wait3A_53 = arith.constant 0 : i32
      %dma_wait3A_54 = tpu.memref_slice %arg6[%dma_wait3A, %dma_wait3A_52, %dma_wait3A_53] : memref<4x128x128xf32, #tpu.memory_space<vmem>> -> memref<1x128x128xf32, #tpu.memory_space<vmem>>
      %dma_wait3A_55 = tpu.memref_squeeze %dma_wait3A_54 : memref<1x128x128xf32, #tpu.memory_space<vmem>> -> memref<128x128xf32, #tpu.memory_space<vmem>>
      tpu.wait_dma2 semaphore(%arg8 : memref<!tpu.dma_semaphore, #tpu.memory_space<semaphore_mem>>) src(%dma_wait3A_55 : memref<128x128xf32, #tpu.memory_space<vmem>>) dst(%dma_wait3A_51 : memref<128x128xf32, #tpu.memory_space<hbm>>)
    } else {
    }
    return
  }
}

module attributes {stable_mosaic.version = 14 : i64} {
  func.func @_moments_body(%arg0: i32, %arg1: memref<400x128xf32, #tpu.memory_space<vmem>>, %arg2: memref<12800x128xf32, #tpu.memory_space<vmem>>, %arg3: memref<400x32x16xf32, #tpu.memory_space<vmem>>, %arg4: memref<128x256xf32, #tpu.memory_space<vmem>>, %arg5: memref<16x256xf32, #tpu.memory_space<vmem>>, %arg6: memref<128x256xf32, #tpu.memory_space<vmem>>, %arg7: memref<1x256xf32, #tpu.memory_space<vmem>>, %arg8: memref<8x256xf32, #tpu.memory_space<vmem>>, %arg9: memref<128x128xf32, #tpu.memory_space<vmem>>, %arg10: memref<16x128xf32, #tpu.memory_space<vmem>>, %arg11: memref<16x16xf32, #tpu.memory_space<vmem>>) attributes {dimension_semantics = [#tpu.dimension_semantics<arbitrary>], iteration_bounds = array<i64: 25>, scalar_prefetch = 0 : i64, scratch_operands = 3 : i64, tpu.core_type = #tpu.core_type<tc>, window_params = [{transform_indices = @transform_0, window_bounds = array<i64: 400, 128>}, {transform_indices = @transform_1, window_bounds = array<i64: 12800, 128>}, {transform_indices = @transform_2, window_bounds = array<i64: 400, 32, 16>}, {pipeline_mode = #tpu.pipeline_mode<synchronous>, transform_indices = @transform_3, window_bounds = array<i64: 128, 256>}, {pipeline_mode = #tpu.pipeline_mode<synchronous>, transform_indices = @transform_4, window_bounds = array<i64: 16, 256>}, {pipeline_mode = #tpu.pipeline_mode<synchronous>, transform_indices = @transform_5, window_bounds = array<i64: 128, 256>}, {pipeline_mode = #tpu.pipeline_mode<synchronous>, transform_indices = @transform_6, window_bounds = array<i64: 1, 256>}, {pipeline_mode = #tpu.pipeline_mode<synchronous>, transform_indices = @transform_7, window_bounds = array<i64: 8, 256>}]} {
    %eq3A = arith.constant 0 : i32
    %eq3A_0 = arith.cmpi eq, %arg0, %eq3A : i32
    %convert_element_type3A = arith.extui %eq3A_0 : i1 to i32
    %cond3A = arith.constant 0 : i32
    %cond3A_1 = arith.cmpi ne, %convert_element_type3A, %cond3A : i32
    scf.if %cond3A_1 {
      %broadcast_in_dim3A_99 = arith.constant 0.000000e+00 : f32
      %broadcast_in_dim3A_100 = vector.broadcast %broadcast_in_dim3A_99 : f32 to vector<8x256xf32>
      %swap3A_101 = arith.constant 0 : index
      %swap3A_102 = arith.constant 0 : index
      %swap3A_103 = vector.load %arg8[%swap3A_101, %swap3A_102] : memref<8x256xf32, #tpu.memory_space<vmem>>, vector<8x256xf32>
      tpu.vector_store %arg8[%swap3A_101, %swap3A_102], %broadcast_in_dim3A_100 {strides = array<i32>} : memref<8x256xf32, #tpu.memory_space<vmem>>, vector<8x256xf32>,
      %broadcast_in_dim3A_104 = arith.constant 0.000000e+00 : f32
      %broadcast_in_dim3A_105 = vector.broadcast %broadcast_in_dim3A_104 : f32 to vector<128x128xf32>
      %swap3A_106 = arith.constant 0 : index
      %swap3A_107 = arith.constant 0 : index
      %swap3A_108 = vector.load %arg9[%swap3A_106, %swap3A_107] : memref<128x128xf32, #tpu.memory_space<vmem>>, vector<128x128xf32>
      tpu.vector_store %arg9[%swap3A_106, %swap3A_107], %broadcast_in_dim3A_105 {strides = array<i32>} : memref<128x128xf32, #tpu.memory_space<vmem>>, vector<128x128xf32>,
      %broadcast_in_dim3A_109 = arith.constant 0.000000e+00 : f32
      %broadcast_in_dim3A_110 = vector.broadcast %broadcast_in_dim3A_109 : f32 to vector<16x128xf32>
      %swap3A_111 = arith.constant 0 : index
      %swap3A_112 = arith.constant 0 : index
      %swap3A_113 = vector.load %arg10[%swap3A_111, %swap3A_112] : memref<16x128xf32, #tpu.memory_space<vmem>>, vector<16x128xf32>
      tpu.vector_store %arg10[%swap3A_111, %swap3A_112], %broadcast_in_dim3A_110 {strides = array<i32>} : memref<16x128xf32, #tpu.memory_space<vmem>>, vector<16x128xf32>,
      %broadcast_in_dim3A_114 = arith.constant 0.000000e+00 : f32
      %broadcast_in_dim3A_115 = vector.broadcast %broadcast_in_dim3A_114 : f32 to vector<16x16xf32>
      %swap3A_116 = arith.constant 0 : index
      %swap3A_117 = arith.constant 0 : index
      %swap3A_118 = vector.load %arg11[%swap3A_116, %swap3A_117] : memref<16x16xf32, #tpu.memory_space<vmem>>, vector<16x16xf32>
      tpu.vector_store %arg11[%swap3A_116, %swap3A_117], %broadcast_in_dim3A_115 {strides = array<i32>} : memref<16x16xf32, #tpu.memory_space<vmem>>, vector<16x16xf32>,
    } else {
    }
    %get3A = arith.constant 0 : index
    %get3A_2 = arith.constant 0 : index
    %get3A_3 = vector.load %arg2[%get3A, %get3A_2] : memref<12800x128xf32, #tpu.memory_space<vmem>>, vector<12800x128xf32>
    %get3A_4 = arith.constant 0 : index
    %get3A_5 = arith.constant 0 : index
    %get3A_6 = arith.constant 0 : index
    %get3A_7 = vector.load %arg3[%get3A_4, %get3A_5, %get3A_6] : memref<400x32x16xf32, #tpu.memory_space<vmem>>, vector<400x32x16xf32>
    %reshape3A = vector.shape_cast %get3A_7 : vector<400x32x16xf32> to vector<12800x16xf32>
    %convert_element_type3A_8 = arith.truncf %get3A_3 : vector<12800x128xf32> to vector<12800x128xbf16>
    %convert_element_type3A_9 = arith.truncf %reshape3A : vector<12800x16xf32> to vector<12800x16xbf16>
    %get3A_10 = arith.constant 0 : index
    %get3A_11 = arith.constant 0 : index
    %get3A_12 = vector.load %arg9[%get3A_10, %get3A_11] : memref<128x128xf32, #tpu.memory_space<vmem>>, vector<128x128xf32>
    %dot_general3A = arith.constant dense<0.000000e+00> : vector<128x128xf32>
    %dot_general3A_13 = tpu.matmul %convert_element_type3A_8, %convert_element_type3A_8, %dot_general3A {dimension_numbers = #tpu.dot_dimension_numbers<[0], [0], [1], [1], [0, 1, 1, 1], [], []>, transpose_lhs_hint = false} : vector<12800x128xbf16>, vector<12800x128xbf16>, vector<128x128xf32> -> vector<128x128xf32>
    %add3A = arith.addf %get3A_12, %dot_general3A_13 : vector<128x128xf32>
    %swap3A = arith.constant 0 : index
    %swap3A_14 = arith.constant 0 : index
    %swap3A_15 = vector.load %arg9[%swap3A, %swap3A_14] : memref<128x128xf32, #tpu.memory_space<vmem>>, vector<128x128xf32>
    tpu.vector_store %arg9[%swap3A, %swap3A_14], %add3A {strides = array<i32>} : memref<128x128xf32, #tpu.memory_space<vmem>>, vector<128x128xf32>,
    %get3A_16 = arith.constant 0 : index
    %get3A_17 = arith.constant 0 : index
    %get3A_18 = vector.load %arg10[%get3A_16, %get3A_17] : memref<16x128xf32, #tpu.memory_space<vmem>>, vector<16x128xf32>
    %dot_general3A_19 = arith.constant dense<0.000000e+00> : vector<16x128xf32>
    %dot_general3A_20 = tpu.matmul %convert_element_type3A_9, %convert_element_type3A_8, %dot_general3A_19 {dimension_numbers = #tpu.dot_dimension_numbers<[0], [0], [1], [1], [0, 1, 1, 1], [], []>, transpose_lhs_hint = false} : vector<12800x16xbf16>, vector<12800x128xbf16>, vector<16x128xf32> -> vector<16x128xf32>
    %add3A_21 = arith.addf %get3A_18, %dot_general3A_20 : vector<16x128xf32>
    %swap3A_22 = arith.constant 0 : index
    %swap3A_23 = arith.constant 0 : index
    %swap3A_24 = vector.load %arg10[%swap3A_22, %swap3A_23] : memref<16x128xf32, #tpu.memory_space<vmem>>, vector<16x128xf32>
    tpu.vector_store %arg10[%swap3A_22, %swap3A_23], %add3A_21 {strides = array<i32>} : memref<16x128xf32, #tpu.memory_space<vmem>>, vector<16x128xf32>,
    %get3A_25 = arith.constant 0 : index
    %get3A_26 = arith.constant 0 : index
    %get3A_27 = vector.load %arg11[%get3A_25, %get3A_26] : memref<16x16xf32, #tpu.memory_space<vmem>>, vector<16x16xf32>
    %dot_general3A_28 = arith.constant dense<0.000000e+00> : vector<16x16xf32>
    %dot_general3A_29 = tpu.matmul %convert_element_type3A_9, %convert_element_type3A_9, %dot_general3A_28 {dimension_numbers = #tpu.dot_dimension_numbers<[0], [0], [1], [1], [0, 1, 1, 1], [], []>, transpose_lhs_hint = false} : vector<12800x16xbf16>, vector<12800x16xbf16>, vector<16x16xf32> -> vector<16x16xf32>
    %add3A_30 = arith.addf %get3A_27, %dot_general3A_29 : vector<16x16xf32>
    %swap3A_31 = arith.constant 0 : index
    %swap3A_32 = arith.constant 0 : index
    %swap3A_33 = vector.load %arg11[%swap3A_31, %swap3A_32] : memref<16x16xf32, #tpu.memory_space<vmem>>, vector<16x16xf32>
    tpu.vector_store %arg11[%swap3A_31, %swap3A_32], %add3A_30 {strides = array<i32>} : memref<16x16xf32, #tpu.memory_space<vmem>>, vector<16x16xf32>,
    %reshape3A_34 = vector.shape_cast %get3A_3 : vector<12800x128xf32> to vector<400x32x128xf32>
    %reduce_sum3A = arith.constant dense<0.000000e+00> : vector<400x128xf32>
    %reduce_sum3A_35 = vector.multi_reduction <add>, %reshape3A_34, %reduce_sum3A [1] : vector<400x32x128xf32> to vector<400x128xf32>
    %reduce_sum3A_36 = arith.constant dense<0.000000e+00> : vector<400x16xf32>
    %reduce_sum3A_37 = vector.multi_reduction <add>, %get3A_7, %reduce_sum3A_36 [1] : vector<400x32x16xf32> to vector<400x16xf32>
    %get3A_38 = arith.constant 0 : index
    %get3A_39 = arith.constant 0 : index
    %get3A_40 = vector.load %arg1[%get3A_38, %get3A_39] : memref<400x128xf32, #tpu.memory_space<vmem>>, vector<400x128xf32>
    %get3A_41 = arith.constant 0 : index
    %get3A_42 = arith.constant 0 : index
    %get3A_43 = vector.load %arg4[%get3A_41, %get3A_42] : memref<128x256xf32, #tpu.memory_space<vmem>>, vector<128x256xf32>
    %dot_general3A_44 = arith.constant dense<0.000000e+00> : vector<400x256xf32>
    %dot_general3A_45 = tpu.matmul %get3A_40, %get3A_43, %dot_general3A_44 {dimension_numbers = #tpu.dot_dimension_numbers<[1], [0], [0], [1], [0, 0, 1, 1], [], []>, transpose_lhs_hint = false} : vector<400x128xf32>, vector<128x256xf32>, vector<400x256xf32> -> vector<400x256xf32>
    %get3A_46 = arith.constant 0 : index
    %get3A_47 = arith.constant 0 : index
    %get3A_48 = vector.load %arg7[%get3A_46, %get3A_47] : memref<1x256xf32, #tpu.memory_space<vmem>>, vector<1x256xf32>
    %add3A_49 = vector.broadcast %get3A_48 : vector<1x256xf32> to vector<400x256xf32>
    %add3A_50 = arith.addf %dot_general3A_45, %add3A_49 : vector<400x256xf32>
    %get3A_51 = arith.constant 0 : index
    %get3A_52 = arith.constant 0 : index
    %get3A_53 = vector.load %arg6[%get3A_51, %get3A_52] : memref<128x256xf32, #tpu.memory_space<vmem>>, vector<128x256xf32>
    %dot_general3A_54 = arith.constant dense<0.000000e+00> : vector<400x256xf32>
    %dot_general3A_55 = tpu.matmul %reduce_sum3A_35, %get3A_53, %dot_general3A_54 {dimension_numbers = #tpu.dot_dimension_numbers<[1], [0], [0], [1], [0, 0, 1, 1], [], []>, transpose_lhs_hint = false} : vector<400x128xf32>, vector<128x256xf32>, vector<400x256xf32> -> vector<400x256xf32>
    %get3A_56 = arith.constant 0 : index
    %get3A_57 = arith.constant 0 : index
    %get3A_58 = vector.load %arg5[%get3A_56, %get3A_57] : memref<16x256xf32, #tpu.memory_space<vmem>>, vector<16x256xf32>
    %dot_general3A_59 = arith.constant dense<0.000000e+00> : vector<400x256xf32>
    %dot_general3A_60 = tpu.matmul %reduce_sum3A_37, %get3A_58, %dot_general3A_59 {dimension_numbers = #tpu.dot_dimension_numbers<[1], [0], [0], [1], [0, 0, 1, 1], [], []>, transpose_lhs_hint = false} : vector<400x16xf32>, vector<16x256xf32>, vector<400x256xf32> -> vector<400x256xf32>
    %mul3A = arith.constant 3.200000e+01 : f32
    %mul3A_61 = vector.broadcast %mul3A : f32 to vector<400x256xf32>
    %mul3A_62 = arith.mulf %mul3A_61, %add3A_50 : vector<400x256xf32>
    %add3A_63 = arith.addf %mul3A_62, %dot_general3A_60 : vector<400x256xf32>
    %add3A_64 = arith.addf %add3A_63, %dot_general3A_55 : vector<400x256xf32>
    %reduce_sum3A_65 = arith.constant dense<0.000000e+00> : vector<256xf32>
    %reduce_sum3A_66 = vector.multi_reduction <add>, %add3A_64, %reduce_sum3A_65 [0] : vector<400x256xf32> to vector<256xf32>
    %mul3A_67 = arith.constant 3.200000e+01 : f32
    %mul3A_68 = vector.broadcast %mul3A_67 : f32 to vector<400x256xf32>
    %mul3A_69 = arith.mulf %mul3A_68, %add3A_50 : vector<400x256xf32>
    %mul3A_70 = arith.mulf %mul3A_69, %add3A_50 : vector<400x256xf32>
    %mul3A_71 = arith.constant 2.000000e+00 : f32
    %mul3A_72 = vector.broadcast %mul3A_71 : f32 to vector<400x256xf32>
    %mul3A_73 = arith.mulf %mul3A_72, %add3A_50 : vector<400x256xf32>
    %add3A_74 = arith.addf %dot_general3A_60, %dot_general3A_55 : vector<400x256xf32>
    %mul3A_75 = arith.mulf %mul3A_73, %add3A_74 : vector<400x256xf32>
    %add3A_76 = arith.addf %mul3A_70, %mul3A_75 : vector<400x256xf32>
    %reduce_sum3A_77 = arith.constant dense<0.000000e+00> : vector<256xf32>
    %reduce_sum3A_78 = vector.multi_reduction <add>, %add3A_76, %reduce_sum3A_77 [0] : vector<400x256xf32> to vector<256xf32>
    %get3A_79 = arith.constant 0 : index
    %get3A_80 = arith.constant 0 : index
    %get3A_81 = vector.load %arg8[%get3A_79, %get3A_80] : memref<8x256xf32, #tpu.memory_space<vmem>>, vector<1x256xf32>
    %broadcast_in_dim3A = vector.shape_cast %reduce_sum3A_66 : vector<256xf32> to vector<1x256xf32>
    %add3A_82 = arith.addf %get3A_81, %broadcast_in_dim3A : vector<1x256xf32>
    %swap3A_83 = arith.constant 0 : index
    %swap3A_84 = arith.constant 0 : index
    %swap3A_85 = vector.load %arg8[%swap3A_83, %swap3A_84] : memref<8x256xf32, #tpu.memory_space<vmem>>, vector<1x256xf32>
    tpu.vector_store %arg8[%swap3A_83, %swap3A_84], %add3A_82 {strides = array<i32>} : memref<8x256xf32, #tpu.memory_space<vmem>>, vector<1x256xf32>,
    %get3A_86 = arith.constant 1 : index
    %get3A_87 = arith.constant 0 : index
    %get3A_88 = vector.load %arg8[%get3A_86, %get3A_87] : memref<8x256xf32, #tpu.memory_space<vmem>>, vector<1x256xf32>
    %broadcast_in_dim3A_89 = vector.shape_cast %reduce_sum3A_78 : vector<256xf32> to vector<1x256xf32>
    %add3A_90 = arith.addf %get3A_88, %broadcast_in_dim3A_89 : vector<1x256xf32>
    %swap3A_91 = arith.constant 1 : index
    %swap3A_92 = arith.constant 0 : index
    %swap3A_93 = vector.load %arg8[%swap3A_91, %swap3A_92] : memref<8x256xf32, #tpu.memory_space<vmem>>, vector<1x256xf32>
    tpu.vector_store %arg8[%swap3A_91, %swap3A_92], %add3A_90 {strides = array<i32>} : memref<8x256xf32, #tpu.memory_space<vmem>>, vector<1x256xf32>,
    %eq3A_94 = arith.constant 24 : i32
    %eq3A_95 = arith.cmpi eq, %arg0, %eq3A_94 : i32
    %convert_element_type3A_96 = arith.extui %eq3A_95 : i1 to i32
    %cond3A_97 = arith.constant 0 : i32
    %cond3A_98 = arith.cmpi ne, %convert_element_type3A_96, %cond3A_97 : i32
    scf.if %cond3A_98 {
      %get3A_99 = arith.constant 0 : index
      %get3A_100 = arith.constant 0 : index
      %get3A_101 = vector.load %arg6[%get3A_99, %get3A_100] : memref<128x256xf32, #tpu.memory_space<vmem>>, vector<128x256xf32>
      %get3A_102 = arith.constant 0 : index
      %get3A_103 = arith.constant 0 : index
      %get3A_104 = vector.load %arg5[%get3A_102, %get3A_103] : memref<16x256xf32, #tpu.memory_space<vmem>>, vector<16x256xf32>
      %get3A_105 = arith.constant 0 : index
      %get3A_106 = arith.constant 0 : index
      %get3A_107 = vector.load %arg9[%get3A_105, %get3A_106] : memref<128x128xf32, #tpu.memory_space<vmem>>, vector<128x128xf32>
      %dot_general3A_108 = arith.constant dense<0.000000e+00> : vector<128x256xf32>
      %dot_general3A_109 = tpu.matmul %get3A_107, %get3A_101, %dot_general3A_108 {dimension_numbers = #tpu.dot_dimension_numbers<[1], [0], [0], [1], [0, 0, 1, 1], [], []>, transpose_lhs_hint = false} : vector<128x128xf32>, vector<128x256xf32>, vector<128x256xf32> -> vector<128x256xf32>
      %mul3A_110 = arith.mulf %get3A_101, %dot_general3A_109 : vector<128x256xf32>
      %reduce_sum3A_111 = arith.constant dense<0.000000e+00> : vector<256xf32>
      %reduce_sum3A_112 = vector.multi_reduction <add>, %mul3A_110, %reduce_sum3A_111 [0] : vector<128x256xf32> to vector<256xf32>
      %get3A_113 = arith.constant 0 : index
      %get3A_114 = arith.constant 0 : index
      %get3A_115 = vector.load %arg11[%get3A_113, %get3A_114] : memref<16x16xf32, #tpu.memory_space<vmem>>, vector<16x16xf32>
      %dot_general3A_116 = arith.constant dense<0.000000e+00> : vector<16x256xf32>
      %dot_general3A_117 = tpu.matmul %get3A_115, %get3A_104, %dot_general3A_116 {dimension_numbers = #tpu.dot_dimension_numbers<[1], [0], [0], [1], [0, 0, 1, 1], [], []>, transpose_lhs_hint = false} : vector<16x16xf32>, vector<16x256xf32>, vector<16x256xf32> -> vector<16x256xf32>
      %mul3A_118 = arith.mulf %get3A_104, %dot_general3A_117 : vector<16x256xf32>
      %reduce_sum3A_119 = arith.constant dense<0.000000e+00> : vector<256xf32>
      %reduce_sum3A_120 = vector.multi_reduction <add>, %mul3A_118, %reduce_sum3A_119 [0] : vector<16x256xf32> to vector<256xf32>
      %get3A_121 = arith.constant 0 : index
      %get3A_122 = arith.constant 0 : index
      %get3A_123 = vector.load %arg10[%get3A_121, %get3A_122] : memref<16x128xf32, #tpu.memory_space<vmem>>, vector<16x128xf32>
      %dot_general3A_124 = arith.constant dense<0.000000e+00> : vector<16x256xf32>
      %dot_general3A_125 = tpu.matmul %get3A_123, %get3A_101, %dot_general3A_124 {dimension_numbers = #tpu.dot_dimension_numbers<[1], [0], [0], [1], [0, 0, 1, 1], [], []>, transpose_lhs_hint = false} : vector<16x128xf32>, vector<128x256xf32>, vector<16x256xf32> -> vector<16x256xf32>
      %mul3A_126 = arith.mulf %get3A_104, %dot_general3A_125 : vector<16x256xf32>
      %reduce_sum3A_127 = arith.constant dense<0.000000e+00> : vector<256xf32>
      %reduce_sum3A_128 = vector.multi_reduction <add>, %mul3A_126, %reduce_sum3A_127 [0] : vector<16x256xf32> to vector<256xf32>
      %get3A_129 = arith.constant 1 : index
      %get3A_130 = arith.constant 0 : index
      %get3A_131 = vector.load %arg8[%get3A_129, %get3A_130] : memref<8x256xf32, #tpu.memory_space<vmem>>, vector<1x256xf32>
      %add3A_132 = arith.addf %reduce_sum3A_112, %reduce_sum3A_120 : vector<256xf32>
      %mul3A_133 = arith.constant 2.000000e+00 : f32
      %mul3A_134 = vector.broadcast %mul3A_133 : f32 to vector<256xf32>
      %mul3A_135 = arith.mulf %mul3A_134, %reduce_sum3A_128 : vector<256xf32>
      %add3A_136 = arith.addf %add3A_132, %mul3A_135 : vector<256xf32>
      %broadcast_in_dim3A_137 = vector.shape_cast %add3A_136 : vector<256xf32> to vector<1x256xf32>
      %add3A_138 = arith.addf %get3A_131, %broadcast_in_dim3A_137 : vector<1x256xf32>
      %swap3A_139 = arith.constant 1 : index
      %swap3A_140 = arith.constant 0 : index
      %swap3A_141 = vector.load %arg8[%swap3A_139, %swap3A_140] : memref<8x256xf32, #tpu.memory_space<vmem>>, vector<1x256xf32>
      tpu.vector_store %arg8[%swap3A_139, %swap3A_140], %add3A_138 {strides = array<i32>} : memref<8x256xf32, #tpu.memory_space<vmem>>, vector<1x256xf32>,
    } else {
    }
    return
  }
  func.func @transform_0(%arg0: i32) -> (i32, i32) {
    %c0_i32 = arith.constant 0 : i32
    %c0_i32_0 = arith.constant 0 : i32
    return %arg0, %c0_i32 : i32, i32
  }
  func.func @transform_1(%arg0: i32) -> (i32, i32) {
    %c0_i32 = arith.constant 0 : i32
    %c0_i32_0 = arith.constant 0 : i32
    return %arg0, %c0_i32 : i32, i32
  }
  func.func @transform_2(%arg0: i32) -> (i32, i32, i32) {
    %c0_i32 = arith.constant 0 : i32
    %c0_i32_0 = arith.constant 0 : i32
    %c0_i32_1 = arith.constant 0 : i32
    return %arg0, %c0_i32, %c0_i32_0 : i32, i32, i32
  }
  func.func @transform_3(%arg0: i32) -> (i32, i32) {
    %c0_i32 = arith.constant 0 : i32
    %c0_i32_0 = arith.constant 0 : i32
    %c0_i32_1 = arith.constant 0 : i32
    return %c0_i32, %c0_i32_0 : i32, i32
  }
  func.func @transform_4(%arg0: i32) -> (i32, i32) {
    %c0_i32 = arith.constant 0 : i32
    %c0_i32_0 = arith.constant 0 : i32
    %c0_i32_1 = arith.constant 0 : i32
    return %c0_i32, %c0_i32_0 : i32, i32
  }
  func.func @transform_5(%arg0: i32) -> (i32, i32) {
    %c0_i32 = arith.constant 0 : i32
    %c0_i32_0 = arith.constant 0 : i32
    %c0_i32_1 = arith.constant 0 : i32
    return %c0_i32, %c0_i32_0 : i32, i32
  }
  func.func @transform_6(%arg0: i32) -> (i32, i32) {
    %c0_i32 = arith.constant 0 : i32
    %c0_i32_0 = arith.constant 0 : i32
    %c0_i32_1 = arith.constant 0 : i32
    return %c0_i32, %c0_i32_0 : i32, i32
  }
  func.func @transform_7(%arg0: i32) -> (i32, i32) {
    %c0_i32 = arith.constant 0 : i32
    %c0_i32_0 = arith.constant 0 : i32
    %c0_i32_1 = arith.constant 0 : i32
    return %c0_i32, %c0_i32_0 : i32, i32
  }
}

module attributes {stable_mosaic.version = 14 : i64} {
  func.func @_reduce_body(%arg0: i32, %arg1: memref<400x128xf32, #tpu.memory_space<vmem>>, %arg2: memref<12800x128xf32, #tpu.memory_space<vmem>>, %arg3: memref<400x32x16xf32, #tpu.memory_space<vmem>>, %arg4: memref<128x256xf32, #tpu.memory_space<vmem>>, %arg5: memref<16x256xf32, #tpu.memory_space<vmem>>, %arg6: memref<128x256xf32, #tpu.memory_space<vmem>>, %arg7: memref<1x256xf32, #tpu.memory_space<vmem>>, %arg8: memref<400x128xf32, #tpu.memory_space<vmem>>, %arg9: memref<8x128xf32, #tpu.memory_space<vmem>>) attributes {dimension_semantics = [#tpu.dimension_semantics<arbitrary>], iteration_bounds = array<i64: 25>, scalar_prefetch = 0 : i64, scratch_operands = 0 : i64, tpu.core_type = #tpu.core_type<tc>, window_params = [{transform_indices = @transform_0, window_bounds = array<i64: 400, 128>}, {transform_indices = @transform_1, window_bounds = array<i64: 12800, 128>}, {transform_indices = @transform_2, window_bounds = array<i64: 400, 32, 16>}, {pipeline_mode = #tpu.pipeline_mode<synchronous>, transform_indices = @transform_3, window_bounds = array<i64: 128, 256>}, {pipeline_mode = #tpu.pipeline_mode<synchronous>, transform_indices = @transform_4, window_bounds = array<i64: 16, 256>}, {pipeline_mode = #tpu.pipeline_mode<synchronous>, transform_indices = @transform_5, window_bounds = array<i64: 128, 256>}, {pipeline_mode = #tpu.pipeline_mode<synchronous>, transform_indices = @transform_6, window_bounds = array<i64: 1, 256>}, {transform_indices = @transform_7, window_bounds = array<i64: 400, 128>}, {pipeline_mode = #tpu.pipeline_mode<synchronous>, transform_indices = @transform_8, window_bounds = array<i64: 8, 128>}]} {
    %get3A = arith.constant 0 : index
    %get3A_0 = arith.constant 0 : index
    %get3A_1 = vector.load %arg1[%get3A, %get3A_0] : memref<400x128xf32, #tpu.memory_space<vmem>>, vector<400x128xf32>
    %get3A_2 = arith.constant 0 : index
    %get3A_3 = arith.constant 0 : index
    %get3A_4 = vector.load %arg4[%get3A_2, %get3A_3] : memref<128x256xf32, #tpu.memory_space<vmem>>, vector<128x256xf32>
    %dot_general3A = arith.constant dense<0.000000e+00> : vector<400x256xf32>
    %dot_general3A_5 = tpu.matmul %get3A_1, %get3A_4, %dot_general3A {dimension_numbers = #tpu.dot_dimension_numbers<[1], [0], [0], [1], [0, 0, 1, 1], [], []>, transpose_lhs_hint = false} : vector<400x128xf32>, vector<128x256xf32>, vector<400x256xf32> -> vector<400x256xf32>
    %get3A_6 = arith.constant 0 : index
    %get3A_7 = arith.constant 0 : index
    %get3A_8 = vector.load %arg7[%get3A_6, %get3A_7] : memref<1x256xf32, #tpu.memory_space<vmem>>, vector<1x256xf32>
    %add3A = vector.broadcast %get3A_8 : vector<1x256xf32> to vector<400x256xf32>
    %add3A_9 = arith.addf %dot_general3A_5, %add3A : vector<400x256xf32>
    %get3A_10 = arith.constant 0 : index
    %get3A_11 = arith.constant 0 : index
    %get3A_12 = vector.load %arg2[%get3A_10, %get3A_11] : memref<12800x128xf32, #tpu.memory_space<vmem>>, vector<12800x128xf32>
    %get3A_13 = arith.constant 0 : index
    %get3A_14 = arith.constant 0 : index
    %get3A_15 = vector.load %arg6[%get3A_13, %get3A_14] : memref<128x256xf32, #tpu.memory_space<vmem>>, vector<128x256xf32>
    %dot_general3A_16 = arith.constant dense<0.000000e+00> : vector<12800x256xf32>
    %dot_general3A_17 = tpu.matmul %get3A_12, %get3A_15, %dot_general3A_16 {dimension_numbers = #tpu.dot_dimension_numbers<[1], [0], [0], [1], [0, 0, 1, 1], [], []>, transpose_lhs_hint = false} : vector<12800x128xf32>, vector<128x256xf32>, vector<12800x256xf32> -> vector<12800x256xf32>
    %get3A_18 = arith.constant 0 : index
    %get3A_19 = arith.constant 0 : index
    %get3A_20 = arith.constant 0 : index
    %get3A_21 = vector.load %arg3[%get3A_18, %get3A_19, %get3A_20] : memref<400x32x16xf32, #tpu.memory_space<vmem>>, vector<400x32x16xf32>
    %reshape3A = vector.shape_cast %get3A_21 : vector<400x32x16xf32> to vector<12800x16xf32>
    %get3A_22 = arith.constant 0 : index
    %get3A_23 = arith.constant 0 : index
    %get3A_24 = vector.load %arg5[%get3A_22, %get3A_23] : memref<16x256xf32, #tpu.memory_space<vmem>>, vector<16x256xf32>
    %dot_general3A_25 = arith.constant dense<0.000000e+00> : vector<12800x256xf32>
    %dot_general3A_26 = tpu.matmul %reshape3A, %get3A_24, %dot_general3A_25 {dimension_numbers = #tpu.dot_dimension_numbers<[1], [0], [0], [1], [0, 0, 1, 1], [], []>, transpose_lhs_hint = false} : vector<12800x16xf32>, vector<16x256xf32>, vector<12800x256xf32> -> vector<12800x256xf32>
    %add3A_27 = arith.addf %dot_general3A_17, %dot_general3A_26 : vector<12800x256xf32>
    %reshape3A_28 = vector.shape_cast %add3A_27 : vector<12800x256xf32> to vector<400x32x256xf32>
    %broadcast_in_dim3A = vector.shape_cast %add3A_9 : vector<400x256xf32> to vector<400x1x256xf32>
    %add3A_29 = vector.broadcast %broadcast_in_dim3A : vector<400x1x256xf32> to vector<400x32x256xf32>
    %add3A_30 = arith.addf %reshape3A_28, %add3A_29 : vector<400x32x256xf32>
    %slice3A = vector.extract_strided_slice %add3A_30 {offsets = [0, 0, 0], sizes = [400, 32, 128], strides = [1, 1, 1]} : vector<400x32x256xf32> to vector<400x32x128xf32>
    %logistic3A = arith.negf %slice3A : vector<400x32x128xf32>
    %logistic3A_31 = math.exp %logistic3A : vector<400x32x128xf32>
    %logistic3A_32 = arith.constant 1.000000e+00 : f32
    %logistic3A_33 = vector.broadcast %logistic3A_32 : f32 to vector<400x32x128xf32>
    %logistic3A_34 = arith.addf %logistic3A_33, %logistic3A_31 : vector<400x32x128xf32>
    %logistic3A_35 = arith.divf %logistic3A_33, %logistic3A_34 : vector<400x32x128xf32>
    %slice3A_36 = vector.extract_strided_slice %add3A_30 {offsets = [0, 0, 128], sizes = [400, 32, 128], strides = [1, 1, 1]} : vector<400x32x256xf32> to vector<400x32x128xf32>
    %max3A = arith.constant 0.000000e+00 : f32
    %max3A_37 = vector.broadcast %max3A : f32 to vector<400x32x128xf32>
    %max3A_38 = arith.maximumf %slice3A_36, %max3A_37 : vector<400x32x128xf32>
    %abs3A = math.absf %slice3A_36 : vector<400x32x128xf32>
    %neg3A = arith.constant 0.000000e+00 : f32
    %neg3A_39 = vector.broadcast %neg3A : f32 to vector<400x32x128xf32>
    %neg3A_40 = arith.subf %neg3A_39, %abs3A : vector<400x32x128xf32>
    %exp3A = math.exp %neg3A_40 : vector<400x32x128xf32>
    %log1p3A = math.log1p %exp3A : vector<400x32x128xf32>
    %add3A_41 = arith.addf %max3A_38, %log1p3A : vector<400x32x128xf32>
    %mul3A = arith.mulf %logistic3A_35, %add3A_41 : vector<400x32x128xf32>
    %reduce_sum3A = arith.constant dense<0.000000e+00> : vector<400x128xf32>
    %reduce_sum3A_42 = vector.multi_reduction <add>, %mul3A, %reduce_sum3A [1] : vector<400x32x128xf32> to vector<400x128xf32>
    %swap3A = arith.constant 0 : index
    %swap3A_43 = arith.constant 0 : index
    %swap3A_44 = vector.load %arg8[%swap3A, %swap3A_43] : memref<400x128xf32, #tpu.memory_space<vmem>>, vector<400x128xf32>
    tpu.vector_store %arg8[%swap3A, %swap3A_43], %reduce_sum3A_42 {strides = array<i32>} : memref<400x128xf32, #tpu.memory_space<vmem>>, vector<400x128xf32>,
    %eq3A = arith.constant 0 : i32
    %eq3A_45 = arith.cmpi eq, %arg0, %eq3A : i32
    %convert_element_type3A = arith.extui %eq3A_45 : i1 to i32
    %cond3A = arith.constant 0 : i32
    %cond3A_46 = arith.cmpi ne, %convert_element_type3A, %cond3A : i32
    scf.if %cond3A_46 {
      %broadcast_in_dim3A_68 = arith.constant 0.000000e+00 : f32
      %broadcast_in_dim3A_69 = vector.broadcast %broadcast_in_dim3A_68 : f32 to vector<8x128xf32>
      %swap3A_70 = arith.constant 0 : index
      %swap3A_71 = arith.constant 0 : index
      %swap3A_72 = vector.load %arg9[%swap3A_70, %swap3A_71] : memref<8x128xf32, #tpu.memory_space<vmem>>, vector<8x128xf32>
      tpu.vector_store %arg9[%swap3A_70, %swap3A_71], %broadcast_in_dim3A_69 {strides = array<i32>} : memref<8x128xf32, #tpu.memory_space<vmem>>, vector<8x128xf32>,
    } else {
    }
    %get3A_47 = arith.constant 0 : index
    %get3A_48 = arith.constant 0 : index
    %get3A_49 = vector.load %arg9[%get3A_47, %get3A_48] : memref<8x128xf32, #tpu.memory_space<vmem>>, vector<1x128xf32>
    %reduce_sum3A_50 = arith.constant dense<0.000000e+00> : vector<128xf32>
    %reduce_sum3A_51 = vector.multi_reduction <add>, %reduce_sum3A_42, %reduce_sum3A_50 [0] : vector<400x128xf32> to vector<128xf32>
    %broadcast_in_dim3A_52 = vector.shape_cast %reduce_sum3A_51 : vector<128xf32> to vector<1x128xf32>
    %add3A_53 = arith.addf %get3A_49, %broadcast_in_dim3A_52 : vector<1x128xf32>
    %swap3A_54 = arith.constant 0 : index
    %swap3A_55 = arith.constant 0 : index
    %swap3A_56 = vector.load %arg9[%swap3A_54, %swap3A_55] : memref<8x128xf32, #tpu.memory_space<vmem>>, vector<1x128xf32>
    tpu.vector_store %arg9[%swap3A_54, %swap3A_55], %add3A_53 {strides = array<i32>} : memref<8x128xf32, #tpu.memory_space<vmem>>, vector<1x128xf32>,
    %get3A_57 = arith.constant 1 : index
    %get3A_58 = arith.constant 0 : index
    %get3A_59 = vector.load %arg9[%get3A_57, %get3A_58] : memref<8x128xf32, #tpu.memory_space<vmem>>, vector<1x128xf32>
    %mul3A_60 = arith.mulf %reduce_sum3A_42, %reduce_sum3A_42 : vector<400x128xf32>
    %reduce_sum3A_61 = arith.constant dense<0.000000e+00> : vector<128xf32>
    %reduce_sum3A_62 = vector.multi_reduction <add>, %mul3A_60, %reduce_sum3A_61 [0] : vector<400x128xf32> to vector<128xf32>
    %broadcast_in_dim3A_63 = vector.shape_cast %reduce_sum3A_62 : vector<128xf32> to vector<1x128xf32>
    %add3A_64 = arith.addf %get3A_59, %broadcast_in_dim3A_63 : vector<1x128xf32>
    %swap3A_65 = arith.constant 1 : index
    %swap3A_66 = arith.constant 0 : index
    %swap3A_67 = vector.load %arg9[%swap3A_65, %swap3A_66] : memref<8x128xf32, #tpu.memory_space<vmem>>, vector<1x128xf32>
    tpu.vector_store %arg9[%swap3A_65, %swap3A_66], %add3A_64 {strides = array<i32>} : memref<8x128xf32, #tpu.memory_space<vmem>>, vector<1x128xf32>,
    return
  }
  func.func @transform_0(%arg0: i32) -> (i32, i32) {
    %c0_i32 = arith.constant 0 : i32
    %c0_i32_0 = arith.constant 0 : i32
    return %arg0, %c0_i32 : i32, i32
  }
  func.func @transform_1(%arg0: i32) -> (i32, i32) {
    %c0_i32 = arith.constant 0 : i32
    %c0_i32_0 = arith.constant 0 : i32
    return %arg0, %c0_i32 : i32, i32
  }
  func.func @transform_2(%arg0: i32) -> (i32, i32, i32) {
    %c0_i32 = arith.constant 0 : i32
    %c0_i32_0 = arith.constant 0 : i32
    %c0_i32_1 = arith.constant 0 : i32
    return %arg0, %c0_i32, %c0_i32_0 : i32, i32, i32
  }
  func.func @transform_3(%arg0: i32) -> (i32, i32) {
    %c0_i32 = arith.constant 0 : i32
    %c0_i32_0 = arith.constant 0 : i32
    %c0_i32_1 = arith.constant 0 : i32
    return %c0_i32, %c0_i32_0 : i32, i32
  }
  func.func @transform_4(%arg0: i32) -> (i32, i32) {
    %c0_i32 = arith.constant 0 : i32
    %c0_i32_0 = arith.constant 0 : i32
    %c0_i32_1 = arith.constant 0 : i32
    return %c0_i32, %c0_i32_0 : i32, i32
  }
  func.func @transform_5(%arg0: i32) -> (i32, i32) {
    %c0_i32 = arith.constant 0 : i32
    %c0_i32_0 = arith.constant 0 : i32
    %c0_i32_1 = arith.constant 0 : i32
    return %c0_i32, %c0_i32_0 : i32, i32
  }
  func.func @transform_6(%arg0: i32) -> (i32, i32) {
    %c0_i32 = arith.constant 0 : i32
    %c0_i32_0 = arith.constant 0 : i32
    %c0_i32_1 = arith.constant 0 : i32
    return %c0_i32, %c0_i32_0 : i32, i32
  }
  func.func @transform_7(%arg0: i32) -> (i32, i32) {
    %c0_i32 = arith.constant 0 : i32
    %c0_i32_0 = arith.constant 0 : i32
    return %arg0, %c0_i32 : i32, i32
  }
  func.func @transform_8(%arg0: i32) -> (i32, i32) {
    %c0_i32 = arith.constant 0 : i32
    %c0_i32_0 = arith.constant 0 : i32
    %c0_i32_1 = arith.constant 0 : i32
    return %c0_i32, %c0_i32_0 : i32, i32
  }
}

module attributes {stable_mosaic.version = 14 : i64} {
  func.func @_final_body(%arg0: i32, %arg1: memref<400x128xf32, #tpu.memory_space<vmem>>, %arg2: memref<400x128xf32, #tpu.memory_space<vmem>>, %arg3: memref<128x128xf32, #tpu.memory_space<vmem>>, %arg4: memref<1x128xf32, #tpu.memory_space<vmem>>, %arg5: memref<1x128xf32, #tpu.memory_space<vmem>>, %arg6: memref<1x128xf32, #tpu.memory_space<vmem>>, %arg7: memref<400x128xf32, #tpu.memory_space<vmem>>) attributes {dimension_semantics = [#tpu.dimension_semantics<arbitrary>], iteration_bounds = array<i64: 25>, scalar_prefetch = 0 : i64, scratch_operands = 0 : i64, tpu.core_type = #tpu.core_type<tc>, window_params = [{transform_indices = @transform_0, window_bounds = array<i64: 400, 128>}, {transform_indices = @transform_1, window_bounds = array<i64: 400, 128>}, {pipeline_mode = #tpu.pipeline_mode<synchronous>, transform_indices = @transform_2, window_bounds = array<i64: 128, 128>}, {pipeline_mode = #tpu.pipeline_mode<synchronous>, transform_indices = @transform_3, window_bounds = array<i64: 1, 128>}, {pipeline_mode = #tpu.pipeline_mode<synchronous>, transform_indices = @transform_4, window_bounds = array<i64: 1, 128>}, {pipeline_mode = #tpu.pipeline_mode<synchronous>, transform_indices = @transform_5, window_bounds = array<i64: 1, 128>}, {transform_indices = @transform_6, window_bounds = array<i64: 400, 128>}]} {
    %get3A = arith.constant 0 : index
    %get3A_0 = arith.constant 0 : index
    %get3A_1 = vector.load %arg1[%get3A, %get3A_0] : memref<400x128xf32, #tpu.memory_space<vmem>>, vector<400x128xf32>
    %get3A_2 = arith.constant 0 : index
    %get3A_3 = arith.constant 0 : index
    %get3A_4 = vector.load %arg3[%get3A_2, %get3A_3] : memref<128x128xf32, #tpu.memory_space<vmem>>, vector<128x128xf32>
    %dot_general3A = arith.constant dense<0.000000e+00> : vector<400x128xf32>
    %dot_general3A_5 = tpu.matmul %get3A_1, %get3A_4, %dot_general3A {dimension_numbers = #tpu.dot_dimension_numbers<[1], [0], [0], [1], [0, 0, 1, 1], [], []>, transpose_lhs_hint = false} : vector<400x128xf32>, vector<128x128xf32>, vector<400x128xf32> -> vector<400x128xf32>
    %get3A_6 = arith.constant 0 : index
    %get3A_7 = arith.constant 0 : index
    %get3A_8 = vector.load %arg4[%get3A_6, %get3A_7] : memref<1x128xf32, #tpu.memory_space<vmem>>, vector<1x128xf32>
    %add3A = vector.broadcast %get3A_8 : vector<1x128xf32> to vector<400x128xf32>
    %add3A_9 = arith.addf %dot_general3A_5, %add3A : vector<400x128xf32>
    %get3A_10 = arith.constant 0 : index
    %get3A_11 = arith.constant 0 : index
    %get3A_12 = vector.load %arg2[%get3A_10, %get3A_11] : memref<400x128xf32, #tpu.memory_space<vmem>>, vector<400x128xf32>
    %get3A_13 = arith.constant 0 : index
    %get3A_14 = arith.constant 0 : index
    %get3A_15 = vector.load %arg5[%get3A_13, %get3A_14] : memref<1x128xf32, #tpu.memory_space<vmem>>, vector<1x128xf32>
    %mul3A = vector.broadcast %get3A_15 : vector<1x128xf32> to vector<400x128xf32>
    %mul3A_16 = arith.mulf %get3A_12, %mul3A : vector<400x128xf32>
    %add3A_17 = arith.addf %add3A_9, %mul3A_16 : vector<400x128xf32>
    %get3A_18 = arith.constant 0 : index
    %get3A_19 = arith.constant 0 : index
    %get3A_20 = vector.load %arg6[%get3A_18, %get3A_19] : memref<1x128xf32, #tpu.memory_space<vmem>>, vector<1x128xf32>
    %add3A_21 = vector.broadcast %get3A_20 : vector<1x128xf32> to vector<400x128xf32>
    %add3A_22 = arith.addf %add3A_17, %add3A_21 : vector<400x128xf32>
    %max3A = arith.constant 0.000000e+00 : f32
    %max3A_23 = vector.broadcast %max3A : f32 to vector<400x128xf32>
    %max3A_24 = arith.maximumf %add3A_22, %max3A_23 : vector<400x128xf32>
    %abs3A = math.absf %add3A_22 : vector<400x128xf32>
    %neg3A = arith.constant 0.000000e+00 : f32
    %neg3A_25 = vector.broadcast %neg3A : f32 to vector<400x128xf32>
    %neg3A_26 = arith.subf %neg3A_25, %abs3A : vector<400x128xf32>
    %exp3A = math.exp %neg3A_26 : vector<400x128xf32>
    %log1p3A = math.log1p %exp3A : vector<400x128xf32>
    %add3A_27 = arith.addf %max3A_24, %log1p3A : vector<400x128xf32>
    %swap3A = arith.constant 0 : index
    %swap3A_28 = arith.constant 0 : index
    %swap3A_29 = vector.load %arg7[%swap3A, %swap3A_28] : memref<400x128xf32, #tpu.memory_space<vmem>>, vector<400x128xf32>
    tpu.vector_store %arg7[%swap3A, %swap3A_28], %add3A_27 {strides = array<i32>} : memref<400x128xf32, #tpu.memory_space<vmem>>, vector<400x128xf32>,
    return
  }
  func.func @transform_0(%arg0: i32) -> (i32, i32) {
    %c0_i32 = arith.constant 0 : i32
    %c0_i32_0 = arith.constant 0 : i32
    return %arg0, %c0_i32 : i32, i32
  }
  func.func @transform_1(%arg0: i32) -> (i32, i32) {
    %c0_i32 = arith.constant 0 : i32
    %c0_i32_0 = arith.constant 0 : i32
    return %arg0, %c0_i32 : i32, i32
  }
  func.func @transform_2(%arg0: i32) -> (i32, i32) {
    %c0_i32 = arith.constant 0 : i32
    %c0_i32_0 = arith.constant 0 : i32
    %c0_i32_1 = arith.constant 0 : i32
    return %c0_i32, %c0_i32_0 : i32, i32
  }
  func.func @transform_3(%arg0: i32) -> (i32, i32) {
    %c0_i32 = arith.constant 0 : i32
    %c0_i32_0 = arith.constant 0 : i32
    %c0_i32_1 = arith.constant 0 : i32
    return %c0_i32, %c0_i32_0 : i32, i32
  }
  func.func @transform_4(%arg0: i32) -> (i32, i32) {
    %c0_i32 = arith.constant 0 : i32
    %c0_i32_0 = arith.constant 0 : i32
    %c0_i32_1 = arith.constant 0 : i32
    return %c0_i32, %c0_i32_0 : i32, i32
  }
  func.func @transform_5(%arg0: i32) -> (i32, i32) {
    %c0_i32 = arith.constant 0 : i32
    %c0_i32_0 = arith.constant 0 : i32
    %c0_i32_1 = arith.constant 0 : i32
    return %c0_i32, %c0_i32_0 : i32, i32
  }
  func.func @transform_6(%arg0: i32) -> (i32, i32) {
    %c0_i32 = arith.constant 0 : i32
    %c0_i32_0 = arith.constant 0 : i32
    return %arg0, %c0_i32 : i32, i32
  }
}

</mosaic_0001>

<sc_bundles>
// kernel: kernel.6.cloned.1.call-start
scs
__scs_entry_jumppad:
0x0: {  	(pc) =	sbr.rel $0x88, $3  }
0x1: {  	(tag) =	ssettag $0x0;
	lr =	simm.s32 $0x1  }
0x2: {  	[smem:$0x3F96] =	sst lr;
	_ =	strace $0xD0000000  }
0x3: {  	_ = 	snop  }
0x4: {  	_ = 	snop  }
0x5: {  	_ = 	snop  }
0x6: {  	_ = 	snop  }
0x7: {  	_ = 	snop  }
__scs_overlays_trampoline_lowered:
0x8: {  	[smem:$0x3FA5] =	sst s0  }
0x9: {  	[smem:$0x3FA6] =	sst s1  }
0xa: {  	[smem:$0x3FA7] =	sst s2  }
0xb: {  	[smem:$0x3FA8] =	sst s3  }
0xc: {  	[smem:$0x3FA9] =	sst s4  }
0xd: {  	[smem:$0x3FAA] =	sst s5  }
0xe: {  	[smem:$0x3FAB] =	sst s6  }
0xf: {  	[smem:$0x3FAC] =	sst s7  }
0x10: {  	[smem:$0x3FAD] =	sst s8  }
0x11: {  	[smem:$0x3FAE] =	sst s9;
	s0 =	simm.s32 @!p0 $0x0  }
0x12: {  	s1 =	sld [smem:$0x3F94];
	s0 =	simm.s32 @p0 $0x1  }
0x13: {  	[smem:$0x3FAF] =	sst s0;
	s0 =	simm.s32 @!p1 $0x0  }
0x14: {  	s2 =	sld [smem:$0x3F93];
	s0 =	simm.s32 @p1 $0x1  }
0x15: {  	[smem:$0x3FB0] =	sst s0;
	s0 =	simm.s32 @!p2 $0x0  }
0x16: {  	s3 =	sld [smem:$0x3FDB];
	s0 =	simm.s32 @p2 $0x1  }
0x17: {  	s4 =	simm.s32 $0x1BF5;
	[smem:$0x3FB2] =	sst s0  }
0x18: {  	s0 =	sld [smem:$0x3F95];
	_ =	swait.ge [sflag:s4], $0x0  }
0x19: {  	s7 =	sld [smem:$0x3F96]  }
0x1a: {  	s8 =	sadd.s32 $0xFFFFE003, lr  }
0x1b: {  	s9 =	sadd.s32 $0xFFFFFEF7, lr;
	s5 =	simm.s32 $0xFFFFFFFF;
	p2 =	slt.u32 s8, $0xFFFFF086  }
0x1c: {  	p1 =	slt.u32 s9, $0xF7A;
	s5 =	simm.s32 @!p2 $0x0  }
0x1d: {  	s5 =	simm.s32 @p1 $0x1;
	p0 =	seq.s32 s7, s2  }
0x1e: {  	s7 =	smul.u32 @!p0 $0xF7A, s2;
	p2 =	seq.s32 @!p0 s5, $0x0  }
0x1f: {  	s9 =	smul.u32 $0xF7A, s1;
	s8 =	simm.s32 @!p0 $0x1BF5;
	p2 =	por !p2, p0  }
0x20: {  	[sflag:s8] =	ssyncset.s32 @!p0 $0xFFFFF086;
	s6 =	sadd.s32 @!p0 s3, s7;
	s7 =	simm.s32 @!p0 $0x108  }
0x21: {  	s3 =	sadd.s32 s3, s9;
	s6 =	sadd.s32 @!p0 $0x88, s6;
	s7 =	simm.s32 @p2 $0x1082  }
0x22: {  	[simem:s7], [sflag:s8] =	dma.local @!p0 [hbm:s6], $0xF7A  }
0x23: {  	s9 =	sor.u32 $0xD0000000, s2;
	s6 =	simm.s32 $0x108;
	_ =	swait.ge @!p0 [sflag:s8], $0x0  }
0x24: {  	s3 =	sadd.s32 $0x88, s3;
	s6 =	simm.s32 @!p1 $0x1082;
	[sflag:s4] =	ssyncset.s32 $0xFFFFF086  }
0x25: {  	[simem:s6], [sflag:s4] =	dma.local [hbm:s3], $0xF7A  }
0x26: {  	[smem:$0x3F96] =	sst s1;
	(tag) =	ssettag s2;
	_ =	strace s9  }
0x27: {  	s1 =	sld [smem:$0x3FA6]  }
0x28: {  	s2 =	sld [smem:$0x3FA7]  }
0x29: {  	s4 =	sld [smem:$0x3FA9]  }
0x2a: {  	p0 =	seq.s32 s5, $0x0;
	s5 =	sld [smem:$0x3FAA]  }
0x2b: {  	s6 =	sld [smem:$0x3FAB]  }
0x2c: {  	s7 =	sld [smem:$0x3FAC]  }
0x2d: {  	s3 =	simm.s32 $0x108;
	s8 =	sld [smem:$0x3FAD]  }
0x2e: {  	s3 =	simm.s32 @!p0 $0x1082;
	s9 =	sld [smem:$0x3FAE]  }
0x2f: {  	lr =	sadd.s32 s0, s3;
	s0 =	sld [smem:$0x3FA5]  }
0x30: {  	s3 =	sld [smem:$0x3FA8]  }
0x31: {  	[smem:$0x3FB1] =	sst s10  }
0x32: {  	s10 =	sld [smem:$0x3FAF];
	_ =	sdelay $0x3  }
0x33: {  	p0 =	seq.s32 s10, $0x1;
	s10 =	sld [smem:$0x3FB1];
	_ =	sdelay $0x3  }
0x34: {  	[smem:$0x3FB1] =	sst s10  }
0x35: {  	s10 =	sld [smem:$0x3FB0];
	_ =	sdelay $0x3  }
0x36: {  	p1 =	seq.s32 s10, $0x1;
	s10 =	sld [smem:$0x3FB1];
	_ =	sdelay $0x3  }
0x37: {  	[smem:$0x3FB1] =	sst s10  }
0x38: {  	s10 =	sld [smem:$0x3FB2]  }
0x39: {  	_ = 	snop;
	(pc) =	sbr.ind lr, $3  }
0x3a: {  	_ = 	snop  }
0x3b: {  	_ = 	snop  }
0x3c: {  	p2 =	seq.s32 s10, $0x1;
	s10 =	sld [smem:$0x3FB1]  }
0x3d: {  	_ =	shalt  }
0x3e: {  	_ =	shalt  }
0x3f: {  	_ =	shalt  }
0x40: {  	_ =	shalt  }
0x41: {  	_ =	shalt  }
0x42: {  	_ =	shalt  }
0x43: {  	_ =	shalt  }
0x44: {  	_ =	shalt  }
0x45: {  	_ =	shalt  }
0x46: {  	_ =	shalt  }
0x47: {  	_ =	shalt  }
0x48: {  	_ =	shalt  }
0x49: {  	_ =	shalt  }
0x4a: {  	_ =	shalt  }
0x4b: {  	_ =	shalt  }
0x4c: {  	_ =	shalt  }
0x4d: {  	_ =	shalt  }
0x4e: {  	_ =	shalt  }
0x4f: {  	_ =	shalt  }
0x50: {  	_ =	shalt  }
0x51: {  	_ =	shalt  }
0x52: {  	_ =	shalt  }
0x53: {  	_ =	shalt  }
0x54: {  	_ =	shalt  }
0x55: {  	_ =	shalt  }
0x56: {  	_ =	shalt  }
0x57: {  	_ =	shalt  }
0x58: {  	_ =	shalt  }
0x59: {  	_ =	shalt  }
0x5a: {  	_ =	shalt  }
0x5b: {  	_ =	shalt  }
0x5c: {  	_ =	shalt  }
0x5d: {  	_ =	shalt  }
0x5e: {  	_ =	shalt  }
0x5f: {  	_ =	shalt  }
0x60: {  	_ =	shalt  }
0x61: {  	_ =	shalt  }
0x62: {  	_ =	shalt  }
0x63: {  	_ =	shalt  }
0x64: {  	_ =	shalt  }
0x65: {  	_ =	shalt  }
0x66: {  	_ =	shalt  }
0x67: {  	_ =	shalt  }
0x68: {  	_ =	shalt  }
0x69: {  	_ =	shalt  }
0x6a: {  	_ =	shalt  }
0x6b: {  	_ =	shalt  }
0x6c: {  	_ =	shalt  }
0x6d: {  	_ =	shalt  }
0x6e: {  	_ =	shalt  }
0x6f: {  	_ =	shalt  }
0x70: {  	_ =	shalt  }
0x71: {  	_ =	shalt  }
0x72: {  	_ =	shalt  }
0x73: {  	_ =	shalt  }
0x74: {  	_ =	shalt  }
0x75: {  	_ =	shalt  }
0x76: {  	_ =	shalt  }
0x77: {  	_ =	shalt  }
0x78: {  	_ =	shalt  }
0x79: {  	_ =	shalt  }
0x7a: {  	_ =	shalt  }
0x7b: {  	_ =	shalt  }
0x7c: {  	_ =	shalt  }
0x7d: {  	_ =	shalt  }
0x7e: {  	_ =	shalt  }
0x7f: {  	_ =	shalt  }
0x80: {  	_ =	shalt  }
0x81: {  	_ =	shalt  }
0x82: {  	_ =	shalt  }
0x83: {  	_ =	shalt  }
0x84: {  	_ =	shalt  }
0x85: {  	_ =	shalt  }
0x86: {  	_ =	shalt  }
0x87: {  	_ =	shalt  }
.Lfunc_end0:
.L_simem_size_0:
called_computation_lowered:
.L_overlay_start_0:
0x88: {  	s2 =	sld [smem:$0x3FD9]  }
0x89: {  	s3 =	sld [smem:$0x3FFE];
	_ =	sdelay $0x1  }
0x8a: {  	s1 =	srdreg.scid  }
0x8b: {  	s0 =	sand.u32 $0x1, s1  }
0x8c: {  	s17 =	sshll.u32 s0, $0xA;
	s2 =	sadd.s32 s3, s2  }
0x8d: {  	s2 =	sadd.s32 s2, s17  }
0x8e: {  	[smem:$0x3FBD] =	sst s2  }
0x8f: {  	_ = 	snop  }
0x90: {  	s2 =	sld [smem:$0x3FC9]  }
0x91: {  	s18 =	sld [smem:$0x3FD0];
	(tm) =	ssettm $0x1  }
0x92: {  	s4 =	sld [smem:$0x3FFB];
	_ =	sdelay $0x3  }
0x93: {  	_ =	strace s4  }
0x94: {  	s4 =	sld [smem:$0x3FFC];
	_ =	sdelay $0x3  }
0x95: {  	_ =	strace s4  }
0x96: {  	s4 =	sld [smem:$0x3FFD];
	_ =	sdelay $0x3  }
0x97: {  	_ =	strace s4  }
0x98: {  	_ =	strace $0x8FFFFFFF  }
0x99: {  	s19 =	sld [smem:$0x3FDB];
	_ =	sdelay $0x1  }
0x9a: {  	s5 =	simm.s32 $_scs_section_size  }
0x9b: {  	s6 =	simm.s32 $_size__tile_overlayer_lowered;
	s7 =	simm.s32 $_tile_overlayer_lowered  }
0x9c: {  	s22 =	simm.s32 $0x1BFF;
	s21 =	sshll.u32 s7, $0x1;
	s4 =	sadd.s32 s5, s19  }
0x9d: {  	s8 =	simm.s32 $0x0;
	s20 =	sshll.u32 s6, $0x1;
	s6 =	sadd.s32 s21, s4  }
0x9e: {  	[timem:s8], [sflag:s22] =	dma.local [hbm:s6], s20  }
0x9f: {  	_ =	swait.ge [sflag:s22], s20  }
0xa0: {  	s5 =	ssub.s32 $0x0, s20;
	[sflag:s22] =	ssyncset.done $0x0  }
0xa1: {  	[sflag:s22] =	ssyncadd.s32 s5;
	_ =	sdelay $0x1  }
0xa2: {  	s23 =	simm.s32 $0x1B8B  }
0xa3: {  	_ =	swait.ge [sflag:s23], $0x1  }
0xa4: {  	[sflag:s23] =	ssyncset.done $0x0  }
0xa5: {  	s25 =	simm.s32 $0x1B8E;
	s24 =	sld [smem:$0x3FFE];
	[sflag:s23] =	ssyncadd.s32 $0xFFFFFFFF  }
0xa6: {  	s26 =	simm.s32 $execute0_lowered;
	[smem:$0x3FD2] =	sst s25  }
0xa7: {  	s6 =	sshll.u32 s26, $0x1;
	_ =	strace $0x80000046;
	[dreg:$0x1] =	wrdreg $0xFFFFFFFF  }
0xa8: {  	s28 =	simm.s32 $_size_execute0_lowered;
	s4 =	sadd.s32 s4, s6;
	[dreg:$0x0] =	wrdreg $0x0  }
0xa9: {  	s6 =	sshll.u32 s28, $0x1;
	[dreg:$0x2] =	wrdreg s4  }
0xaa: {  	[dreg:$0x3] =	wrdreg s6  }
0xab: {  	[dreg:$0x4] =	wrdreg $0xC0  }
0xac: {  	_ =	task [dreg:s8], $0x5FFFF  }
0xad: {  	[dreg:$0x1] =	wrdreg $0xFFFFFFFF  }
0xae: {  	[dreg:$0x0] =	wrdreg $0x60  }
0xaf: {  	[dreg:$0x2] =	wrdreg s2  }
0xb0: {  	[dreg:$0x3] =	wrdreg s18  }
0xb1: {  	[dreg:$0x4] =	wrdreg s24  }
0xb2: {  	[dreg:$0x5] =	wrdreg $0x9  }
0xb3: {  	_ =	task.clear_ibuf [dreg:s8], $0x6FFFF;
	_ =	strace $0x90000046  }
0xb4: {  	s29 =	simm.s32 $0x9;
	_ =	strace $0x80000048  }
0xb5: {  	_ =	swait.ge [sflag:s29], $0x1  }
0xb6: {  	[sflag:s29] =	ssyncadd.s32 $0xFFFFFFFF  }
0xb7: {  	_ =	strace $0x90000048  }
0xb8: {  	_ =	sfence  }
0xb9: {  	s30 =	sld [smem:$0x0];
	_ =	sdelay $0x2  }
0xba: {  	s31 =	sshll.u32 s1, $0xD;
	s1 =	sshrl.u32 s1, $0x2  }
0xbb: {  	s3 =	sand.u32 $0x4000, s31;
	s1 =	sadd.s32 s1, s30  }
0xbc: {  	s0 =	sor.u32 s3, s0;
	s1 =	sshll.u32 s1, $0x11  }
0xbd: {  	s0 =	sor.u32 s1, s0  }
0xbe: {  	s0 =	sadd.s32 $0x8F2B, s0  }
0xbf: {  	[sflag:s0] =	ssyncadd.remote.s32 $0x1  }
0xc0: {  	_ =	sfence.sel $0xFFFF  }
0xc1: {  	[dreg:$0x0] =	wrdreg $0xFFFFFFFF;
	(pc) =	sbr.abs _section_cstart, $3  }
0xc2: {  	[dreg:$0x1] =	wrdreg $0xFFFFFFFF  }
0xc3: {  	_ =	task.clear_ibuf [dreg:s8], $0x2FFFF;
	_ =	strace $0x9FFFFFFF  }
0xc4: {  	(tm) =	ssettm $0x7FFFFFFF  }
0xc5: {  	_ =	shalt  }
tec
execute0_lowered:
.L_overlay_start_1:
0x0: {  	(tag) =	ssettag $0x1  }
0x1: {  	s0 =	stileid.u32  }
0x2: {  	s1 =	rddreg [dreg:$0x0];
	s11 =	smul.u32 $0x280000, s0  }
0x3: {  	s2 =	srdreg.scid;
	s28 =	smul.u32 $0xA0, s0  }
0x4: {  	s5 =	rddreg [dreg:$0x1];
	s8 =	sand.u32 $0x1, s2;
	s13 =	smul.u32 $0x50000, s0  }
0x5: {  	s4 =	rddreg [dreg:$0x2];
	s3 =	simm.s32 $0x0;
	s25 =	smul.u32 $0x140000, s8  }
0x6: {  	s24 =	sshll.u32 s0, $0x1;
	s2 =	rddreg [dreg:$0x3];
	s29 =	smul.u32 $0x50, s8  }
0x7: {  	[smem:$0x7FF] =	sst s3;
	s14 =	sor.u32 s8, s24;
	s30 =	smul.u32 $0x28000, s8  }
0x8: {  	s4 =	sadd.s32 $0x2200, s4;
	s7 =	ssub.s32 $0x2, s8;
	s6 =	smul.u32 $0x500, s14  }
0x9: {  	_ =	strace $0x80000047;
	s9 =	smul.u32 $0x28000, s14;
	s10 =	sshrl.u32 s7, $0x1  }
0xa: {  	p0 =	seq.s32 s14, $0x1F;
	s14 =	simm.s32 $0x0;
	s7 =	ssub.s32 s7, s10  }
0xb: {  	s10 =	sadd.s32 s25, s11;
	s13 =	sadd.s32 s30, s13;
	s5 =	sadd.s32 s5, s6  }
0xc: {  	s26 =	sadd.s32 s9, s4;
	s7 =	smax.u32 s7, $0x1;
	s12 =	sor.u32 $0x8000, s10  }
0xd: {  	s9 =	sadd.s32 s29, s28;
	s31 =	sor.u32 $0x4000, s10;
	s15 =	sshrl.u32 s10, $0x3  }
0xe: {  	s6 =	sadd.s32 $0x27800, s26;
	s12 =	sshrl.u32 s12, $0x3;
	s9 =	sor.u32 $0x3, s9  }
0xf: {  	s11 =	sadd.s32 s15, s4;
	s8 =	sadd.s32 s12, s4;
	s12 =	sshrl.u32 s31, $0x3  }
0x10: {  	s10 =	sadd.s32 s12, s4;
	s12 =	sadd.s32 $0x1FFFF800, s13;
	s13 =	simm.s32 $0x3  }
.LBB2_1:
0x11: {  	[tilespmem:s3], [sflag:$0x3] =	stream.linear.gather [hbm4b:s5+s3], $0x2800, $0x38;
	[tilespmem:$0x12800] =	vst v63  }
0x12: {  	s15 =	sadd.s32 $0xFFFFFFFD, s9  }
0x13: {  	p1 =	por $0x0, $0x0;
	p2 =	slt.u32 s15, $0x9C5  }
0x14: {  	_ =	swait.ge [sflag:s13], $0x2800;
	p1 =	por !p1, !p2  }
0x15: {  	p3 =	sgt.u32 s15, $0x9C3;
	[sflag:s13] =	ssyncset.done $0x0;
	p2 =	por !p1, !p1  }
0x16: {  	s15 =	sadd.s32 $0xFFFFFFFE, s9;
	[sflag:s13] =	ssyncadd.s32 $0xFFFFD800;
	s16 =	simm.s32 @p2 $0x2  }
0x17: {  	s18 =	simm.s32 @!p3 $0x80;
	s19 =	simm.s32 @!p3 $0x2800;
	_ =	swait.ge @p2 [sflag:s16], $0x4000  }
0x18: {  	p1 =	por $0x1, $0x1;
	s17 =	sand.u32 @p2 $0x1FFFF800, s12;
	[sflag:s16] =	ssyncset.done @p2 $0x0  }
0x19: {  	s20 =	simm.s32 @p2 $0x1;
	[sflag:s16] =	ssyncadd.s32 @p2 $0xFFFFC000;
	s16 =	simm.s32 @!p3 $0x0  }
0x1a: {  	[tilespmem:s19], [sflag:$0x1] =	stream.indirect.gather @!p3 [hbm4b:s1+s18], $0x80, s16, s18, $0xb8;
	[tilespmem:$0x12800] =	vst v63  }
0x1b: {  	s16 =	sadd.s32 @p2 s4, s17;
	p3 =	sgt.u32 @!p1 s15, $0x9C7;
	_ =	swait.ge @p2 [sflag:s20], $0x4000  }
0x1c: {  	s17 =	simm.s32 @p2 $0xE800;
	p3 =	por p3, p1;
	[sflag:s20] =	ssyncset.done @p2 $0x0  }
0x1d: {  	s18 =	simm.s32 @p2 $0x0;
	s19 =	simm.s32 @!p3 $0x2;
	[sflag:s20] =	ssyncadd.s32 @p2 $0xFFFFC000  }
0x1e: {  	[hbm4b:s16+s18] =	stream.linear.scatter @p2 [tilespmem:s17], [sflag:$0x2], $0x4000, $0x38;
	[tilespmem:$0x12800] =	vst v63  }
0x1f: {  	s17 =	sadd.s32 $0xFFFFFFFF, s9;
	p2 =	sgt.u32 s15, $0x9C3;
	_ =	swait.ge @!p3 [sflag:s19], $0x4000  }
0x20: {  	s15 =	simm.s32 @!p2 $0x6800;
	s16 =	simm.s32 @!p2 $0x80;
	[sflag:s19] =	ssyncset.done @!p3 $0x0  }
0x21: {  	s18 =	simm.s32 @!p2 $0x80;
	[sflag:s19] =	ssyncadd.s32 @!p3 $0xFFFFC000;
	s19 =	simm.s32 @!p2 $0x1  }
0x22: {  	[tilespmem:s15], [sflag:$0x1] =	stream.indirect.gather @!p2 [hbm4b:s1+s18], $0x80, s16, s18, $0xb8;
	[tilespmem:$0x12800] =	vst v63  }
0x23: {  	p3 =	sgt.u32 @!p1 s17, $0x9C7;
	_ =	swait.ge @!p2 [sflag:s19], $0x4000  }
0x24: {  	p3 =	por p3, p1;
	s16 =	simm.s32 @!p2 $0x0;
	[sflag:s19] =	ssyncset.done @!p2 $0x0  }
0x25: {  	s18 =	simm.s32 @!p2 $0x2800;
	[sflag:s19] =	ssyncadd.s32 @!p2 $0xFFFFC000;
	s19 =	simm.s32 @!p3 $0x2  }
0x26: {  	[hbm4b:s11+s16] =	stream.linear.scatter @!p2 [tilespmem:s18], [sflag:$0x2], $0x4000, $0x38;
	[tilespmem:$0x12800] =	vst v63  }
0x27: {  	p2 =	sgt.u32 s17, $0x9C3;
	_ =	swait.ge @!p3 [sflag:s19], $0x4000  }
0x28: {  	s17 =	simm.s32 @!p2 $0xA800;
	s18 =	simm.s32 @!p2 $0x100;
	[sflag:s19] =	ssyncset.done @!p3 $0x0  }
0x29: {  	s20 =	simm.s32 @!p2 $0x80;
	[sflag:s19] =	ssyncadd.s32 @!p3 $0xFFFFC000;
	s19 =	simm.s32 @!p2 $0x1  }
0x2a: {  	[tilespmem:s17], [sflag:$0x1] =	stream.indirect.gather @!p2 [hbm4b:s1+s20], $0x80, s18, s20, $0xb8;
	[tilespmem:$0x12800] =	vst v63  }
0x2b: {  	s15 =	simm.s32 $0x800;
	s16 =	sadd.s32 $0x2000, s12;
	_ =	swait.ge @!p2 [sflag:s19], $0x4000  }
0x2c: {  	p3 =	sgt.u32 @!p1 s9, $0x9C7;
	s18 =	simm.s32 @!p2 $0x6800;
	[sflag:s19] =	ssyncset.done @!p2 $0x0  }
0x2d: {  	p1 =	por p3, p1;
	s20 =	simm.s32 @!p2 $0x0;
	[sflag:s19] =	ssyncadd.s32 @!p2 $0xFFFFC000  }
0x2e: {  	[hbm4b:s10+s20] =	stream.linear.scatter @!p2 [tilespmem:s18], [sflag:$0x2], $0x4000, $0x38;
	[tilespmem:$0x12800] =	vst v63  }
0x2f: {  	s17 =	sadd.s32 $0x2000, s11;
	s19 =	simm.s32 @!p1 $0x2;
	p2 =	sgt.u32 s9, $0x9C3  }
0x30: {  	s18 =	sadd.s32 $0x2000, s10;
	_ =	swait.ge @!p1 [sflag:s19], $0x4000;
	s20 =	simm.s32 @!p2 $0x80  }
0x31: {  	s21 =	simm.s32 @!p2 $0x180;
	s22 =	simm.s32 @!p2 $0x1;
	[sflag:s19] =	ssyncset.done @!p1 $0x0  }
0x32: {  	s24 =	simm.s32 @!p2 $0x0;
	[sflag:s19] =	ssyncadd.s32 @!p1 $0xFFFFC000;
	s19 =	simm.s32 @!p2 $0xE800  }
0x33: {  	[tilespmem:s19], [sflag:$0x1] =	stream.indirect.gather @!p2 [hbm4b:s1+s20], $0x80, s21, s20, $0xb8;
	[tilespmem:$0x12800] =	vst v63  }
0x34: {  	s25 =	simm.s32 @!p2 $0xA800;
	s19 =	sadd.s32 $0x2000, s8;
	_ =	swait.ge @!p2 [sflag:s22], $0x4000  }
0x35: {  	s20 =	sadd.s32 $0x4, s9;
	s21 =	smov.u32 s8;
	[sflag:s22] =	ssyncset.done @!p2 $0x0  }
.LBB2_2:
0x36: {  	s26 =	sadd.s32 $0xFFFFFFFD, s20;
	[sflag:s22] =	ssyncadd.s32 @!p2 $0xFFFFC000  }
0x37: {  	s22 =	smov.u32 s15;
	s15 =	sadd.s32 $0x800, s15;
	s23 =	smov.u32 s18  }
0x38: {  	[hbm4b:s21+s24] =	stream.linear.scatter @!p2 [tilespmem:s25], [sflag:$0x2], $0x4000, $0x38;
	[tilespmem:$0x12800] =	vst v63  }
0x39: {  	p2 =	sne.s32 s22, $0x0;
	p3 =	slt.u32 s26, $0x9C5;
	p1 =	sne.s32 s15, $0xA000  }
0x3a: {  	s21 =	smov.u32 s19;
	p2 =	por !p2, !p3  }
0x3b: {  	p3 =	por !p2, !p2  }
0x3c: {  	s24 =	simm.s32 @p3 $0x2;
	s25 =	sand.u32 @p3 $0x1FFFF800, s16;
	s16 =	sadd.s32 $0x2000, s16  }
0x3d: {  	s28 =	sadd.s32 $0xFFFFFFFF, s20;
	s25 =	sadd.s32 @p3 s4, s25;
	_ =	swait.ge @p3 [sflag:s24], $0x4000  }
0x3e: {  	p4 =	sgt.u32 s26, $0x9C3;
	s26 =	sadd.s32 $0xFFFFFFFE, s20;
	[sflag:s24] =	ssyncset.done @p3 $0x0  }
0x3f: {  	s29 =	simm.s32 @!p4 $0x80;
	[sflag:s24] =	ssyncadd.s32 @p3 $0xFFFFC000;
	s24 =	sshra.s32 @!p4 s22, $0x2  }
0x40: {  	s30 =	simm.s32 @!p4 $0x2800;
	p2 =	seq.s32 s22, $0x0;
	s31 =	simm.s32 @p3 $0x1  }
0x41: {  	[tilespmem:s30], [sflag:$0x1] =	stream.indirect.gather @!p4 [hbm4b:s1+s29], $0x80, s24, s29, $0xb8;
	[tilespmem:$0x12800] =	vst v63  }
0x42: {  	s24 =	simm.s32 @p3 $0xE800;
	p4 =	sgt.u32 @!p2 s26, $0x9C7;
	_ =	swait.ge @p3 [sflag:s31], $0x4000  }
0x43: {  	s29 =	simm.s32 @p3 $0x0;
	p5 =	por p4, p2;
	[sflag:s31] =	ssyncset.done @p3 $0x0  }
0x44: {  	p4 =	sgt.u32 s26, $0x9C3;
	s30 =	simm.s32 @!p5 $0x2;
	[sflag:s31] =	ssyncadd.s32 @p3 $0xFFFFC000  }
0x45: {  	[hbm4b:s25+s29] =	stream.linear.scatter @p3 [tilespmem:s24], [sflag:$0x2], $0x4000, $0x38;
	[tilespmem:$0x12800] =	vst v63  }
0x46: {  	s24 =	sshra.s32 @!p4 s22, $0x2;
	s25 =	simm.s32 @!p4 $0x6800;
	_ =	swait.ge @!p5 [sflag:s30], $0x4000  }
0x47: {  	s26 =	simm.s32 @!p4 $0x80;
	s24 =	sadd.s32 @!p4 $0x80, s24;
	[sflag:s30] =	ssyncset.done @!p5 $0x0  }
0x48: {  	s29 =	simm.s32 @!p4 $0x1;
	p3 =	sgt.u32 @!p2 s28, $0x9C7;
	[sflag:s30] =	ssyncadd.s32 @!p5 $0xFFFFC000  }
0x49: {  	[tilespmem:s25], [sflag:$0x1] =	stream.indirect.gather @!p4 [hbm4b:s1+s26], $0x80, s24, s26, $0xb8;
	[tilespmem:$0x12800] =	vst v63  }
0x4a: {  	p6 =	por p3, p2;
	p3 =	sgt.u32 @!p2 s20, $0x9C7;
	_ =	swait.ge @!p4 [sflag:s29], $0x4000  }
0x4b: {  	s24 =	simm.s32 @!p4 $0x0;
	s25 =	simm.s32 @!p4 $0x2800;
	[sflag:s29] =	ssyncset.done @!p4 $0x0  }
0x4c: {  	p5 =	sgt.u32 s28, $0x9C3;
	s26 =	simm.s32 @!p6 $0x2;
	[sflag:s29] =	ssyncadd.s32 @!p4 $0xFFFFC000  }
0x4d: {  	[hbm4b:s17+s24] =	stream.linear.scatter @!p4 [tilespmem:s25], [sflag:$0x2], $0x4000, $0x38;
	[tilespmem:$0x12800] =	vst v63  }
0x4e: {  	s24 =	sshra.s32 @!p5 s22, $0x2;
	s25 =	simm.s32 @!p5 $0xA800;
	_ =	swait.ge @!p6 [sflag:s26], $0x4000  }
0x4f: {  	s28 =	simm.s32 @!p5 $0x80;
	s24 =	sadd.s32 @!p5 $0x100, s24;
	[sflag:s26] =	ssyncset.done @!p6 $0x0  }
0x50: {  	s17 =	sadd.s32 $0x2000, s17;
	[sflag:s26] =	ssyncadd.s32 @!p6 $0xFFFFC000;
	s26 =	simm.s32 @!p5 $0x1  }
0x51: {  	[tilespmem:s25], [sflag:$0x1] =	stream.indirect.gather @!p5 [hbm4b:s1+s28], $0x80, s24, s28, $0xb8;
	[tilespmem:$0x12800] =	vst v63  }
0x52: {  	s18 =	sadd.s32 $0x2000, s18;
	s24 =	simm.s32 @!p5 $0x6800;
	_ =	swait.ge @!p5 [sflag:s26], $0x4000  }
0x53: {  	p3 =	por p3, p2;
	s25 =	simm.s32 @!p5 $0x0;
	[sflag:s26] =	ssyncset.done @!p5 $0x0  }
0x54: {  	p2 =	sgt.u32 s20, $0x9C3;
	[sflag:s26] =	ssyncadd.s32 @!p5 $0xFFFFC000;
	s26 =	simm.s32 @!p3 $0x2  }
0x55: {  	[hbm4b:s23+s25] =	stream.linear.scatter @!p5 [tilespmem:s24], [sflag:$0x2], $0x4000, $0x38;
	[tilespmem:$0x12800] =	vst v63  }
0x56: {  	s22 =	sshra.s32 @!p2 s22, $0x2;
	s23 =	simm.s32 @!p2 $0x80;
	_ =	swait.ge @!p3 [sflag:s26], $0x4000  }
.Ltmp0:
0x57: {  	s24 =	sadd.s32 @!p2 $0x180, s22;
	[sflag:s26] =	ssyncset.done @!p3 $0x0;
	(pc) =	sbr.rel @p1 .LBB2_2-.Ltmp0, $4  }
0x58: {  	s25 =	simm.s32 @!p2 $0xE800;
	s22 =	simm.s32 @!p2 $0x1;
	[sflag:s26] =	ssyncadd.s32 @!p3 $0xFFFFC000  }
0x59: {  	[tilespmem:s25], [sflag:$0x1] =	stream.indirect.gather @!p2 [hbm4b:s1+s23], $0x80, s24, s23, $0xb8;
	[tilespmem:$0x12800] =	vst v63  }
0x5a: {  	s19 =	sadd.s32 $0x2000, s19;
	s20 =	sadd.s32 $0x4, s20;
	_ =	swait.ge @!p2 [sflag:s22], $0x4000  }
0x5b: {  	s24 =	simm.s32 @!p2 $0x0;
	s25 =	simm.s32 @!p2 $0xA800;
	[sflag:s22] =	ssyncset.done @!p2 $0x0  }
0x5c: {  	[sflag:s22] =	ssyncadd.s32 @!p2 $0xFFFFC000;
	s15 =	simm.s32 @!p0 $0x1  }
0x5d: {  	[hbm4b:s21+s24] =	stream.linear.scatter @!p2 [tilespmem:s25], [sflag:$0x2], $0x4000, $0x38;
	[tilespmem:$0x12800] =	vst v63  }
0x5e: {  	_ =	swait.ge @!p0 [sflag:s15], $0x4000  }
0x5f: {  	[sflag:s15] =	ssyncset.done @!p0 $0x0  }
0x60: {  	s16 =	simm.s32 @!p0 $0xE800;
	[sflag:s15] =	ssyncadd.s32 @!p0 $0xFFFFC000;
	s15 =	simm.s32 @!p0 $0x0  }
0x61: {  	[hbm4b:s6+s15] =	stream.linear.scatter @!p0 [tilespmem:s16], [sflag:$0x2], $0x4000, $0x38;
	[tilespmem:$0x12800] =	vst v63  }
0x62: {  	s15 =	simm.s32 @!p0 $0x2  }
0x63: {  	_ =	swait.ge @!p0 [sflag:s15], $0x4000  }
0x64: {  	[sflag:s15] =	ssyncset.done @!p0 $0x0  }
0x65: {  	[sflag:s15] =	ssyncadd.s32 @!p0 $0xFFFFC000  }
0x66: {  	_ =	swait.ge @!p0 [sflag:s15], $0x4000  }
0x67: {  	[sflag:s15] =	ssyncset.done @!p0 $0x0  }
0x68: {  	s14 =	sadd.s32 $0x1, s14;
	[sflag:s15] =	ssyncadd.s32 @!p0 $0xFFFFC000  }
0x69: {  	p1 =	sne.s32 s14, s7;
	_ =	swait.ge @!p0 [sflag:s15], $0x4000  }
.Ltmp1:
0x6a: {  	[sflag:s15] =	ssyncset.done @!p0 $0x0;
	(pc) =	sbr.rel @p1 .LBB2_1-.Ltmp1, $4  }
0x6b: {  	[sflag:s15] =	ssyncadd.s32 @!p0 $0xFFFFC000  }
0x6c: {  	_ =	swait.ge @!p0 [sflag:s15], $0x4000  }
0x6d: {  	[sflag:s15] =	ssyncset.done @!p0 $0x0  }
0x6e: {  	[sflag:s15] =	ssyncadd.s32 @!p0 $0xFFFFC000  }
0x6f: {  	_ =	sfence.sel $0x180000  }
0x70: {  	[bflag:$0x0] =	sbarrier.arrive $0xFFFF  }
0x71: {  	p0 =	sne.s32 s0, $0x0;
	_ =	strace $0x90000047  }
0x72: {  	s0 =	sadd.s32 @!p0 $0x100000, s2;
	[bflag:$0x2] =	sbarrier.arrive $0xFFFF  }
0x73: {  	[sflag:s0] =	ssyncadd.tile.s32 @!p0 $0x1;
	_ =	shalt  }
.Lfunc_end2:
_tile_overlayer_lowered:
.L_overlay_start_2:
0x74: {  	(tag) =	ssettag $0x2  }
0x75: {  	s0 =	rddreg [dreg:$0x0];
	s2 =	stileid.u32  }
0x76: {  	s1 =	rddreg [dreg:$0x1];
	p0 =	sne.s32 s2, $0x0  }
0x77: {  	s3 =	rddreg [dreg:$0x2];
	[bflag:$0x3] =	sbarrier.arrive $0xFFFF;
	s2 =	simm.s32 @!p0 $0x1C03  }
0x78: {  	[timem:s3], [sflag:s2] =	dma.local @!p0 [hbm:s0], s1  }
0x79: {  	s0 =	simm.s32 @!p0 $0x3  }
0x7a: {  	_ =	swait.ge @!p0 [sflag:s0], s1  }
0x7b: {  	s1 =	ssub.s32 @!p0 $0x0, s1;
	[sflag:s0] =	ssyncset.done @!p0 $0x0  }
0x7c: {  	[sflag:s0] =	ssyncadd.s32 @!p0 s1  }
0x7d: {  	[bflag:$0x3] =	sbarrier.arrive $0xFFFF  }
0x7e: {  	_ =	shalt  }

</sc_bundles>
